<compile_context>
chip_gen: v7x
topology: tpu7x:2x2x1
jax: 0.10.2.dev20260603
libtpu: 0.0.44.dev20260713+nightly
codegen_flags: <defaults>
</compile_context>

<pallas_src>
import functools

import jax
import jax.numpy as jnp
from jax import lax
from jax.experimental import pallas as pl
from jax.experimental.pallas import tpu as pltpu
from jax.experimental.pallas import tpu_sc as plsc

_NC = 2
_NS = 16
_CHUNK = 128
_G = 40
_TRASH = 56
_BLK = 1000


def _pre_block(x_ref, wt_ref, wb_ref, g2_ref, b2_ref, lf_ref, xi_ref,
               y_ref, i1_ref):
    h = jnp.dot(x_ref[...], wt_ref[...], preferred_element_type=jnp.float32)
    h = h + wb_ref[...]
    m = jnp.mean(h, axis=-1, keepdims=True)
    d = h - m
    v = jnp.mean(d * d, axis=-1, keepdims=True)
    hn = d * lax.rsqrt(v + 1e-5)
    y_ref[...] = hn * g2_ref[...] + b2_ref[...]
    i1_ref[...] = xi_ref[0, 0] * lf_ref[...]


def _post_block(s0_ref, s1_ref, owt_ref, ob_ref, out_ref):
    u = s0_ref[...] + s1_ref[...]
    u = jnp.maximum(u, 0.0)
    out_ref[...] = (jnp.dot(u, owt_ref[...], preferred_element_type=jnp.float32)
                    + ob_ref[...] + u)


@functools.lru_cache(maxsize=None)
def _pre_call(n, d):
    grid = (n // _BLK,)
    row_spec = pl.BlockSpec((_BLK, d), lambda i: (i, 0))
    vec_spec = pl.BlockSpec((1, d), lambda i: (0, 0))
    return pl.pallas_call(
        _pre_block,
        grid=grid,
        in_specs=[
            row_spec,
            pl.BlockSpec((d, d), lambda i: (0, 0)),
            vec_spec,
            vec_spec,
            vec_spec,
            row_spec,
            pl.BlockSpec((1, 1), lambda i: (0, 0)),
        ],
        out_specs=[row_spec, row_spec],
        out_shape=[jax.ShapeDtypeStruct((n, d), jnp.float32)] * 2,
    )


@functools.lru_cache(maxsize=None)
def _post_call(n, d):
    grid = (n // _BLK,)
    row_spec = pl.BlockSpec((_BLK, d), lambda i: (i, 0))
    vec_spec = pl.BlockSpec((1, d), lambda i: (0, 0))
    return pl.pallas_call(
        _post_block,
        grid=grid,
        in_specs=[
            row_spec,
            row_spec,
            pl.BlockSpec((d, d), lambda i: (0, 0)),
            vec_spec,
        ],
        out_specs=row_spec,
        out_shape=jax.ShapeDtypeStruct((n, d), jnp.float32),
    )


@functools.lru_cache(maxsize=None)
def _sc_accum(n, d, k):
    rpt = -(-n // _NS) // 8 * 8 + 8
    rpt_last = n - (_NS - 1) * rpt
    assert rpt % 8 == 0 and rpt_last > 0 and rpt_last % 8 == 0
    acc_rows = n + _TRASH * _NS
    mesh = plsc.VectorSubcoreMesh(core_axis_name="c", subcore_axis_name="s")

    @functools.partial(
        pl.kernel, mesh=mesh,
        out_type=jax.ShapeDtypeStruct((_NC * n, d), jnp.float32),
        scratch_types=[
            pltpu.VMEM((_G, _CHUNK), jnp.int32),
            pltpu.VMEM((_G, _CHUNK), jnp.int32),
            pltpu.VMEM((_CHUNK, d), jnp.float32),
            pltpu.VMEM((_CHUNK, d), jnp.float32),
            pltpu.VMEM_SHARED((acc_rows, d), jnp.float32),
            pltpu.SemaphoreType.DMA,
            pltpu.SemaphoreType.DMA,
        ],
    )
    def body(y_hbm, x_hbm, i1_hbm, src_hbm, dst_hbm, out_hbm,
             src_v, dst_v, rows0, rows1, s_sh, gsem0, gsem1):
        cid = lax.axis_index("c")
        sid = lax.axis_index("s")
        wid = sid * _NC + cid
        base = sid * rpt

        def drain(buf, sem):
            pltpu.make_async_copy(y_hbm.at[pl.ds(0, _CHUNK)], buf, sem).wait()

        pltpu.sync_copy(src_hbm.at[wid, pl.ds(0, _G)], src_v)
        pltpu.sync_copy(dst_hbm.at[wid, pl.ds(0, _G)], dst_v)
        pltpu.async_copy(y_hbm.at[src_v.at[0]], rows0, gsem0)

        def seed(rows):
            sl = pl.ds(base, rows)

            @pl.when(cid == 0)
            def _():
                pltpu.sync_copy(x_hbm.at[sl], s_sh.at[sl])

            @pl.when(cid != 0)
            def _():
                pltpu.sync_copy(i1_hbm.at[sl], s_sh.at[sl])

        @pl.when(sid < _NS - 1)
        def _():
            seed(rpt)

        @pl.when(sid == _NS - 1)
        def _():
            seed(rpt_last)

        plsc.subcore_barrier()

        def group(g, carry):
            gbase = g * _G

            @pl.when(g > 0)
            def _():
                pltpu.sync_copy(src_hbm.at[wid, pl.ds(gbase, _G)], src_v)
                pltpu.sync_copy(dst_hbm.at[wid, pl.ds(gbase, _G)], dst_v)
                pltpu.async_copy(y_hbm.at[src_v.at[0]], rows0, gsem0)

            def step(i, c2):
                j0 = i * 2
                j1 = j0 + 1
                pltpu.async_copy(y_hbm.at[src_v.at[j1]], rows1, gsem1)
                drain(rows0, gsem0)
                pltpu.sync_copy(rows0, s_sh.at[dst_v.at[j0]], add=True)

                @pl.when(j0 + 2 < _G)
                def _():
                    pltpu.async_copy(y_hbm.at[src_v.at[j0 + 2]], rows0, gsem0)

                drain(rows1, gsem1)
                pltpu.sync_copy(rows1, s_sh.at[dst_v.at[j1]], add=True)
                return c2

            lax.fori_loop(0, _G // 2, step, 0)
            return carry

        lax.fori_loop(0, k // _G, group, 0)
        plsc.subcore_barrier()

        def wb(rows):
            sl = pl.ds(base, rows)
            pltpu.sync_copy(s_sh.at[sl], out_hbm.at[pl.ds(cid * n + base,
                                                          rows)])

        @pl.when(sid < _NS - 1)
        def _():
            wb(rpt)

        @pl.when(sid == _NS - 1)
        def _():
            wb(rpt_last)

    return body


def kernel(x, edge_index, edge_attr, local_features, timestep,
           gamma, eta, xi, W_w, W_b, ln_g, ln_b, out_w, out_b):
    n, d = x.shape
    e = edge_index.shape[1]
    nw = _NC * _NS
    k = -(-e // (nw * _CHUNK * _G)) * _G
    e_pad = nw * k * _CHUNK

    gamma_t = jax.nn.sigmoid(gamma[timestep])
    eta_t = jax.nn.sigmoid(eta[timestep])
    c = gamma_t * (1.0 - eta_t)
    g2 = (c * ln_g).reshape(1, d)
    b2 = (c * ln_b).reshape(1, d)

    src = edge_index[0]
    dst = edge_index[1]
    pad = e_pad - e
    k_main = (e // (nw * _CHUNK)) // 2 * 2
    e_main = nw * k_main * _CHUNK
    k_tail = k - k_main
    t_len = nw * k_tail * _CHUNK
    src_main = src[:e_main].reshape(nw, k_main, _CHUNK)
    dst_main = dst[:e_main].reshape(nw, k_main, _CHUNK)
    pos = jnp.arange(t_len, dtype=jnp.int32)
    n_real_tail = e - e_main
    is_pad = pos >= n_real_tail
    src_tail = jnp.where(
        is_pad, pos % jnp.int32(n),
        jnp.concatenate([src[e_main:], jnp.zeros((pad,), jnp.int32)]))
    w_idx = pos.reshape(nw, k_tail, _CHUNK) // (k_tail * _CHUNK)
    trash = (n + (w_idx // _NC) * _TRASH
             + pos.reshape(nw, k_tail, _CHUNK) % _TRASH)
    dst_tail = jnp.where(
        is_pad.reshape(nw, k_tail, _CHUNK), trash,
        jnp.concatenate([dst[e_main:], jnp.zeros((pad,), jnp.int32)]
                        ).reshape(nw, k_tail, _CHUNK))
    src_p = jnp.concatenate(
        [src_main, src_tail.reshape(nw, k_tail, _CHUNK)], axis=1)
    dst_p = jnp.concatenate([dst_main, dst_tail], axis=1)

    y, init1 = _pre_call(n, d)(
        x, W_w.T, W_b.reshape(1, d), g2, b2,
        local_features, xi.reshape(1, 1))

    s = _sc_accum(n, d, k)(y, x, init1, src_p, dst_p)

    return _post_call(n, d)(
        s[:n], s[n:], out_w.T, out_b.reshape(1, d))

# --- scband reference (transcript-rebuilt; emitter-appended) ---
"""Pipeline reference for scband-srt-gt-31533649887821 (READ-ONLY COPY).

The authoritative reference and input builder live on the scoring server;
editing this copy changes nothing except your own understanding.
"""

import jax, jax.numpy as jnp
import numpy as np

N = 10000
E = 320000
D = 128
T = 4
D_EDGE = 16


def _layer_norm(h, g, b, eps=1e-5):
    mean = jnp.mean(h, axis=-1, keepdims=True)
    var = jnp.var(h, axis=-1, keepdims=True)
    return (h - mean) / jnp.sqrt(var + eps) * g + b


def setup_inputs(seed: int = 0):
    key = jax.random.key(seed)
    ks = jax.random.split(key, 10)
    x = jax.random.normal(ks[0], (N, D), dtype=jnp.float32)
    edge_index = jax.random.randint(ks[1], (2, E), 0, N, dtype=jnp.int32)
    edge_attr = jax.random.normal(ks[2], (E, D_EDGE), dtype=jnp.float32)
    local_features = jax.random.normal(ks[3], (N, D), dtype=jnp.float32)
    timestep = 0
    # parameters (matching SRT_GT init)
    gamma = jnp.full((T,), 0.15, dtype=jnp.float32)
    eta = jnp.full((T,), 0.6, dtype=jnp.float32)
    xi = jnp.full((1,), 0.2, dtype=jnp.float32)
    # W_t[timestep]: Linear(D,D) + LayerNorm(D)
    W_w = jax.random.normal(ks[4], (D, D), dtype=jnp.float32) * (1.0 / np.sqrt(D))
    W_b = jnp.zeros((D,), dtype=jnp.float32)
    ln_g = jnp.ones((D,), dtype=jnp.float32)
    ln_b = jnp.zeros((D,), dtype=jnp.float32)
    out_w = jax.random.normal(ks[5], (D, D), dtype=jnp.float32) * (1.0 / np.sqrt(D))
    out_b = jnp.zeros((D,), dtype=jnp.float32)
    return {"x": x, "edge_index": edge_index, "edge_attr": edge_attr,
            "local_features": local_features, "timestep": timestep,
            "gamma": gamma, "eta": eta, "xi": xi,
            "W_w": W_w, "W_b": W_b, "ln_g": ln_g, "ln_b": ln_b,
            "out_w": out_w, "out_b": out_b}


def reference(x, edge_index, edge_attr, local_features, timestep,
              gamma, eta, xi, W_w, W_b, ln_g, ln_b, out_w, out_b):
    # Single node-type / single edge-type instantiation of SRT_GT.forward
    src = edge_index[0]
    dst = edge_index[1]
    # messages = LayerNorm(Linear(x[src]))
    msg = x[src] @ W_w.T + W_b
    msg = _layer_norm(msg, ln_g, ln_b)
    gamma_t = jax.nn.sigmoid(gamma[timestep])
    # updated = x.clone(); updated.index_add_(0, dst, gamma_t * msg)
    upd = x.at[dst].add(gamma_t * msg)
    eta_t = jax.nn.sigmoid(eta[timestep])
    upd = (1.0 - eta_t) * upd + eta_t * x
    # local feature injection
    upd = upd + xi[0] * local_features
    upd = jax.nn.relu(upd)
    # output_proj residual
    out = upd @ out_w.T + out_b + upd
    # dropout is identity in eval mode
    return out

if __name__ == "__main__":
    import jax
    _d = setup_inputs()
    print(jax.jit(kernel)(*tuple(_d.values())))

</pallas_src>

<mosaic_0001>
#map = affine_map<(d0, d1) -> (0, 0)>
#map1 = affine_map<(d0, d1) -> (0, 0, 0)>
module attributes {stable_mosaic.version = 14 : i64} {
  func.func @body(%arg0: i32, %arg1: i32, %arg2: memref<10000x128xf32, #tpu.memory_space<hbm>>, %arg3: memref<10000x128xf32, #tpu.memory_space<hbm>>, %arg4: memref<10000x128xf32, #tpu.memory_space<hbm>>, %arg5: memref<32x80x128xi32, #tpu.memory_space<hbm>>, %arg6: memref<32x80x128xi32, #tpu.memory_space<hbm>>, %arg7: memref<20000x128xf32, #tpu.memory_space<hbm>>, %arg8: memref<40x128xi32, #tpu.memory_space<vmem>>, %arg9: memref<40x128xi32, #tpu.memory_space<vmem>>, %arg10: memref<128x128xf32, #tpu.memory_space<vmem>>, %arg11: memref<128x128xf32, #tpu.memory_space<vmem>>, %arg12: memref<10896x128xf32, #tpu.memory_space<vmem_shared>>, %arg13: memref<!tpu.dma_semaphore, #tpu.memory_space<semaphore_mem>>, %arg14: memref<!tpu.dma_semaphore, #tpu.memory_space<semaphore_mem>>) attributes {dimension_semantics = [#tpu.dimension_semantics<core_parallel>, #tpu.dimension_semantics<subcore_parallel>], iteration_bounds = array<i64: 2, 16>, scalar_prefetch = 0 : i64, scratch_operands = 7 : i64, tpu.core_type = #tpu.core_type<sc_vector_subcore>, window_params = [{transform_indices = #map}, {transform_indices = #map}, {transform_indices = #map}, {transform_indices = #map1}, {transform_indices = #map1}, {transform_indices = #map}]} {
    %mul3A = arith.constant 2 : i32
    %mul3A_0 = arith.muli %arg1, %mul3A : i32
    %add3A = arith.addi %mul3A_0, %arg0 : i32
    %mul3A_1 = arith.constant 632 : i32
    %mul3A_2 = arith.muli %arg1, %mul3A_1 : i32
    "tpu.region"() ({
      %run_scoped3A = tpu.sem_alloc : memref<!tpu.dma_semaphore, #tpu.memory_space<semaphore_mem>>
      %dma_start3A_31 = arith.constant 0 : i32
      %dma_start3A_32 = arith.constant 0 : i32
      %dma_start3A_33 = tpu.memref_slice %arg5[%add3A, %dma_start3A_31, %dma_start3A_32] : memref<32x80x128xi32, #tpu.memory_space<hbm>> -> memref<1x40x128xi32, #tpu.memory_space<hbm>>
      %dma_start3A_34 = tpu.memref_squeeze %dma_start3A_33 : memref<1x40x128xi32, #tpu.memory_space<hbm>> -> memref<40x128xi32, #tpu.memory_space<hbm>>
      %dma_start3A_35 = arith.constant 0 : i32
      %dma_start3A_36 = arith.constant 0 : i32
      %dma_start3A_37 = tpu.memref_slice %arg5[%add3A, %dma_start3A_35, %dma_start3A_36] : memref<32x80x128xi32, #tpu.memory_space<hbm>> -> memref<1x40x128xi32, #tpu.memory_space<hbm>>
      %dma_start3A_38 = tpu.memref_squeeze %dma_start3A_37 : memref<1x40x128xi32, #tpu.memory_space<hbm>> -> memref<40x128xi32, #tpu.memory_space<hbm>>
      tpu.enqueue_dma source(%dma_start3A_38 : memref<40x128xi32, #tpu.memory_space<hbm>>) target(%arg8 : memref<40x128xi32, #tpu.memory_space<vmem>>) target_semaphore(%run_scoped3A : memref<!tpu.dma_semaphore, #tpu.memory_space<semaphore_mem>>)
      %dma_wait3A = arith.constant 0 : i32
      %dma_wait3A_39 = arith.constant 0 : i32
      %dma_wait3A_40 = tpu.memref_slice %arg5[%add3A, %dma_wait3A, %dma_wait3A_39] : memref<32x80x128xi32, #tpu.memory_space<hbm>> -> memref<1x40x128xi32, #tpu.memory_space<hbm>>
      %dma_wait3A_41 = tpu.memref_squeeze %dma_wait3A_40 : memref<1x40x128xi32, #tpu.memory_space<hbm>> -> memref<40x128xi32, #tpu.memory_space<hbm>>
      %dma_wait3A_42 = arith.constant 0 : i32
      %dma_wait3A_43 = arith.constant 0 : i32
      %dma_wait3A_44 = tpu.memref_slice %arg5[%add3A, %dma_wait3A_42, %dma_wait3A_43] : memref<32x80x128xi32, #tpu.memory_space<hbm>> -> memref<1x40x128xi32, #tpu.memory_space<hbm>>
      %dma_wait3A_45 = tpu.memref_squeeze %dma_wait3A_44 : memref<1x40x128xi32, #tpu.memory_space<hbm>> -> memref<40x128xi32, #tpu.memory_space<hbm>>
      tpu.wait_dma2 semaphore(%run_scoped3A : memref<!tpu.dma_semaphore, #tpu.memory_space<semaphore_mem>>) src(%dma_wait3A_45 : memref<40x128xi32, #tpu.memory_space<hbm>>) dst(%arg8 : memref<40x128xi32, #tpu.memory_space<vmem>>)
      tpu.yield
    }) : () -> ()
    "tpu.region"() ({
      %run_scoped3A = tpu.sem_alloc : memref<!tpu.dma_semaphore, #tpu.memory_space<semaphore_mem>>
      %dma_start3A_31 = arith.constant 0 : i32
      %dma_start3A_32 = arith.constant 0 : i32
      %dma_start3A_33 = tpu.memref_slice %arg6[%add3A, %dma_start3A_31, %dma_start3A_32] : memref<32x80x128xi32, #tpu.memory_space<hbm>> -> memref<1x40x128xi32, #tpu.memory_space<hbm>>
      %dma_start3A_34 = tpu.memref_squeeze %dma_start3A_33 : memref<1x40x128xi32, #tpu.memory_space<hbm>> -> memref<40x128xi32, #tpu.memory_space<hbm>>
      %dma_start3A_35 = arith.constant 0 : i32
      %dma_start3A_36 = arith.constant 0 : i32
      %dma_start3A_37 = tpu.memref_slice %arg6[%add3A, %dma_start3A_35, %dma_start3A_36] : memref<32x80x128xi32, #tpu.memory_space<hbm>> -> memref<1x40x128xi32, #tpu.memory_space<hbm>>
      %dma_start3A_38 = tpu.memref_squeeze %dma_start3A_37 : memref<1x40x128xi32, #tpu.memory_space<hbm>> -> memref<40x128xi32, #tpu.memory_space<hbm>>
      tpu.enqueue_dma source(%dma_start3A_38 : memref<40x128xi32, #tpu.memory_space<hbm>>) target(%arg9 : memref<40x128xi32, #tpu.memory_space<vmem>>) target_semaphore(%run_scoped3A : memref<!tpu.dma_semaphore, #tpu.memory_space<semaphore_mem>>)
      %dma_wait3A = arith.constant 0 : i32
      %dma_wait3A_39 = arith.constant 0 : i32
      %dma_wait3A_40 = tpu.memref_slice %arg6[%add3A, %dma_wait3A, %dma_wait3A_39] : memref<32x80x128xi32, #tpu.memory_space<hbm>> -> memref<1x40x128xi32, #tpu.memory_space<hbm>>
      %dma_wait3A_41 = tpu.memref_squeeze %dma_wait3A_40 : memref<1x40x128xi32, #tpu.memory_space<hbm>> -> memref<40x128xi32, #tpu.memory_space<hbm>>
      %dma_wait3A_42 = arith.constant 0 : i32
      %dma_wait3A_43 = arith.constant 0 : i32
      %dma_wait3A_44 = tpu.memref_slice %arg6[%add3A, %dma_wait3A_42, %dma_wait3A_43] : memref<32x80x128xi32, #tpu.memory_space<hbm>> -> memref<1x40x128xi32, #tpu.memory_space<hbm>>
      %dma_wait3A_45 = tpu.memref_squeeze %dma_wait3A_44 : memref<1x40x128xi32, #tpu.memory_space<hbm>> -> memref<40x128xi32, #tpu.memory_space<hbm>>
      tpu.wait_dma2 semaphore(%run_scoped3A : memref<!tpu.dma_semaphore, #tpu.memory_space<semaphore_mem>>) src(%dma_wait3A_45 : memref<40x128xi32, #tpu.memory_space<hbm>>) dst(%arg9 : memref<40x128xi32, #tpu.memory_space<vmem>>)
      tpu.yield
    }) : () -> ()
    %dma_start3A = arith.constant 0 : i32
    %dma_start3A_3 = arith.constant 0 : i32
    %dma_start3A_4 = tpu.memref_slice %arg8[%dma_start3A, %dma_start3A_3] : memref<40x128xi32, #tpu.memory_space<vmem>> -> memref<1x128xi32, #tpu.memory_space<vmem>>
    %dma_start3A_5 = tpu.memref_squeeze %dma_start3A_4 : memref<1x128xi32, #tpu.memory_space<vmem>> -> memref<128xi32, #tpu.memory_space<vmem>>
    %dma_start3A_6 = arith.constant 0 : i32
    %dma_start3A_7 = arith.constant 0 : i32
    %dma_start3A_8 = tpu.memref_slice %arg2[%dma_start3A_6, %dma_start3A_7] : memref<10000x128xf32, #tpu.memory_space<hbm>> -> memref<10000x128xf32, #tpu.memory_space<hbm>>
    tpu.enqueue_indirect_dma source(%dma_start3A_8 : memref<10000x128xf32, #tpu.memory_space<hbm>>) target(%arg10 : memref<128x128xf32, #tpu.memory_space<vmem>>) offsets(%dma_start3A_5 : memref<128xi32, #tpu.memory_space<vmem>>) semaphore(%arg13 : memref<!tpu.dma_semaphore, #tpu.memory_space<semaphore_mem>>)
    %lt3A = arith.constant 15 : i32
    %lt3A_9 = arith.cmpi slt, %arg1, %lt3A : i32
    %convert_element_type3A = arith.extui %lt3A_9 : i1 to i32
    %cond3A = arith.constant 0 : i32
    %cond3A_10 = arith.cmpi ne, %convert_element_type3A, %cond3A : i32
    scf.if %cond3A_10 {
      %eq3A_31 = arith.constant 0 : i32
      %eq3A_32 = arith.cmpi eq, %arg0, %eq3A_31 : i32
      %convert_element_type3A_33 = arith.extui %eq3A_32 : i1 to i32
      %cond3A_34 = arith.constant 0 : i32
      %cond3A_35 = arith.cmpi ne, %convert_element_type3A_33, %cond3A_34 : i32
      scf.if %cond3A_35 {
        "tpu.region"() ({
          %run_scoped3A = tpu.sem_alloc : memref<!tpu.dma_semaphore, #tpu.memory_space<semaphore_mem>>
          %dma_start3A_40 = arith.constant 0 : i32
          %dma_start3A_41 = tpu.memref_slice %arg12[%mul3A_2, %dma_start3A_40] : memref<10896x128xf32, #tpu.memory_space<vmem_shared>> -> memref<632x128xf32, #tpu.memory_space<vmem_shared>>
          %dma_start3A_42 = arith.constant 0 : i32
          %dma_start3A_43 = tpu.memref_slice %arg3[%mul3A_2, %dma_start3A_42] : memref<10000x128xf32, #tpu.memory_space<hbm>> -> memref<632x128xf32, #tpu.memory_space<hbm>>
          tpu.enqueue_dma source(%dma_start3A_43 : memref<632x128xf32, #tpu.memory_space<hbm>>) target(%dma_start3A_41 : memref<632x128xf32, #tpu.memory_space<vmem_shared>>) target_semaphore(%run_scoped3A : memref<!tpu.dma_semaphore, #tpu.memory_space<semaphore_mem>>)
          %dma_wait3A = arith.constant 0 : i32
          %dma_wait3A_44 = tpu.memref_slice %arg12[%mul3A_2, %dma_wait3A] : memref<10896x128xf32, #tpu.memory_space<vmem_shared>> -> memref<632x128xf32, #tpu.memory_space<vmem_shared>>
          %dma_wait3A_45 = arith.constant 0 : i32
          %dma_wait3A_46 = tpu.memref_slice %arg3[%mul3A_2, %dma_wait3A_45] : memref<10000x128xf32, #tpu.memory_space<hbm>> -> memref<632x128xf32, #tpu.memory_space<hbm>>
          tpu.wait_dma2 semaphore(%run_scoped3A : memref<!tpu.dma_semaphore, #tpu.memory_space<semaphore_mem>>) src(%dma_wait3A_46 : memref<632x128xf32, #tpu.memory_space<hbm>>) dst(%dma_wait3A_44 : memref<632x128xf32, #tpu.memory_space<vmem_shared>>)
          tpu.yield
        }) : () -> ()
      } else {
      }
      %ne3A = arith.constant 0 : i32
      %ne3A_36 = arith.cmpi ne, %arg0, %ne3A : i32
      %convert_element_type3A_37 = arith.extui %ne3A_36 : i1 to i32
      %cond3A_38 = arith.constant 0 : i32
      %cond3A_39 = arith.cmpi ne, %convert_element_type3A_37, %cond3A_38 : i32
      scf.if %cond3A_39 {
        "tpu.region"() ({
          %run_scoped3A = tpu.sem_alloc : memref<!tpu.dma_semaphore, #tpu.memory_space<semaphore_mem>>
          %dma_start3A_40 = arith.constant 0 : i32
          %dma_start3A_41 = tpu.memref_slice %arg12[%mul3A_2, %dma_start3A_40] : memref<10896x128xf32, #tpu.memory_space<vmem_shared>> -> memref<632x128xf32, #tpu.memory_space<vmem_shared>>
          %dma_start3A_42 = arith.constant 0 : i32
          %dma_start3A_43 = tpu.memref_slice %arg4[%mul3A_2, %dma_start3A_42] : memref<10000x128xf32, #tpu.memory_space<hbm>> -> memref<632x128xf32, #tpu.memory_space<hbm>>
          tpu.enqueue_dma source(%dma_start3A_43 : memref<632x128xf32, #tpu.memory_space<hbm>>) target(%dma_start3A_41 : memref<632x128xf32, #tpu.memory_space<vmem_shared>>) target_semaphore(%run_scoped3A : memref<!tpu.dma_semaphore, #tpu.memory_space<semaphore_mem>>)
          %dma_wait3A = arith.constant 0 : i32
          %dma_wait3A_44 = tpu.memref_slice %arg12[%mul3A_2, %dma_wait3A] : memref<10896x128xf32, #tpu.memory_space<vmem_shared>> -> memref<632x128xf32, #tpu.memory_space<vmem_shared>>
          %dma_wait3A_45 = arith.constant 0 : i32
          %dma_wait3A_46 = tpu.memref_slice %arg4[%mul3A_2, %dma_wait3A_45] : memref<10000x128xf32, #tpu.memory_space<hbm>> -> memref<632x128xf32, #tpu.memory_space<hbm>>
          tpu.wait_dma2 semaphore(%run_scoped3A : memref<!tpu.dma_semaphore, #tpu.memory_space<semaphore_mem>>) src(%dma_wait3A_46 : memref<632x128xf32, #tpu.memory_space<hbm>>) dst(%dma_wait3A_44 : memref<632x128xf32, #tpu.memory_space<vmem_shared>>)
          tpu.yield
        }) : () -> ()
      } else {
      }
    } else {
    }
    %eq3A = arith.constant 15 : i32
    %eq3A_11 = arith.cmpi eq, %arg1, %eq3A : i32
    %convert_element_type3A_12 = arith.extui %eq3A_11 : i1 to i32
    %cond3A_13 = arith.constant 0 : i32
    %cond3A_14 = arith.cmpi ne, %convert_element_type3A_12, %cond3A_13 : i32
    scf.if %cond3A_14 {
      %eq3A_31 = arith.constant 0 : i32
      %eq3A_32 = arith.cmpi eq, %arg0, %eq3A_31 : i32
      %convert_element_type3A_33 = arith.extui %eq3A_32 : i1 to i32
      %cond3A_34 = arith.constant 0 : i32
      %cond3A_35 = arith.cmpi ne, %convert_element_type3A_33, %cond3A_34 : i32
      scf.if %cond3A_35 {
        "tpu.region"() ({
          %run_scoped3A = tpu.sem_alloc : memref<!tpu.dma_semaphore, #tpu.memory_space<semaphore_mem>>
          %dma_start3A_40 = arith.constant 0 : i32
          %dma_start3A_41 = tpu.memref_slice %arg12[%mul3A_2, %dma_start3A_40] : memref<10896x128xf32, #tpu.memory_space<vmem_shared>> -> memref<520x128xf32, #tpu.memory_space<vmem_shared>>
          %dma_start3A_42 = arith.constant 0 : i32
          %dma_start3A_43 = tpu.memref_slice %arg3[%mul3A_2, %dma_start3A_42] : memref<10000x128xf32, #tpu.memory_space<hbm>> -> memref<520x128xf32, #tpu.memory_space<hbm>>
          tpu.enqueue_dma source(%dma_start3A_43 : memref<520x128xf32, #tpu.memory_space<hbm>>) target(%dma_start3A_41 : memref<520x128xf32, #tpu.memory_space<vmem_shared>>) target_semaphore(%run_scoped3A : memref<!tpu.dma_semaphore, #tpu.memory_space<semaphore_mem>>)
          %dma_wait3A = arith.constant 0 : i32
          %dma_wait3A_44 = tpu.memref_slice %arg12[%mul3A_2, %dma_wait3A] : memref<10896x128xf32, #tpu.memory_space<vmem_shared>> -> memref<520x128xf32, #tpu.memory_space<vmem_shared>>
          %dma_wait3A_45 = arith.constant 0 : i32
          %dma_wait3A_46 = tpu.memref_slice %arg3[%mul3A_2, %dma_wait3A_45] : memref<10000x128xf32, #tpu.memory_space<hbm>> -> memref<520x128xf32, #tpu.memory_space<hbm>>
          tpu.wait_dma2 semaphore(%run_scoped3A : memref<!tpu.dma_semaphore, #tpu.memory_space<semaphore_mem>>) src(%dma_wait3A_46 : memref<520x128xf32, #tpu.memory_space<hbm>>) dst(%dma_wait3A_44 : memref<520x128xf32, #tpu.memory_space<vmem_shared>>)
          tpu.yield
        }) : () -> ()
      } else {
      }
      %ne3A = arith.constant 0 : i32
      %ne3A_36 = arith.cmpi ne, %arg0, %ne3A : i32
      %convert_element_type3A_37 = arith.extui %ne3A_36 : i1 to i32
      %cond3A_38 = arith.constant 0 : i32
      %cond3A_39 = arith.cmpi ne, %convert_element_type3A_37, %cond3A_38 : i32
      scf.if %cond3A_39 {
        "tpu.region"() ({
          %run_scoped3A = tpu.sem_alloc : memref<!tpu.dma_semaphore, #tpu.memory_space<semaphore_mem>>
          %dma_start3A_40 = arith.constant 0 : i32
          %dma_start3A_41 = tpu.memref_slice %arg12[%mul3A_2, %dma_start3A_40] : memref<10896x128xf32, #tpu.memory_space<vmem_shared>> -> memref<520x128xf32, #tpu.memory_space<vmem_shared>>
          %dma_start3A_42 = arith.constant 0 : i32
          %dma_start3A_43 = tpu.memref_slice %arg4[%mul3A_2, %dma_start3A_42] : memref<10000x128xf32, #tpu.memory_space<hbm>> -> memref<520x128xf32, #tpu.memory_space<hbm>>
          tpu.enqueue_dma source(%dma_start3A_43 : memref<520x128xf32, #tpu.memory_space<hbm>>) target(%dma_start3A_41 : memref<520x128xf32, #tpu.memory_space<vmem_shared>>) target_semaphore(%run_scoped3A : memref<!tpu.dma_semaphore, #tpu.memory_space<semaphore_mem>>)
          %dma_wait3A = arith.constant 0 : i32
          %dma_wait3A_44 = tpu.memref_slice %arg12[%mul3A_2, %dma_wait3A] : memref<10896x128xf32, #tpu.memory_space<vmem_shared>> -> memref<520x128xf32, #tpu.memory_space<vmem_shared>>
          %dma_wait3A_45 = arith.constant 0 : i32
          %dma_wait3A_46 = tpu.memref_slice %arg4[%mul3A_2, %dma_wait3A_45] : memref<10000x128xf32, #tpu.memory_space<hbm>> -> memref<520x128xf32, #tpu.memory_space<hbm>>
          tpu.wait_dma2 semaphore(%run_scoped3A : memref<!tpu.dma_semaphore, #tpu.memory_space<semaphore_mem>>) src(%dma_wait3A_46 : memref<520x128xf32, #tpu.memory_space<hbm>>) dst(%dma_wait3A_44 : memref<520x128xf32, #tpu.memory_space<vmem_shared>>)
          tpu.yield
        }) : () -> ()
      } else {
      }
    } else {
    }
    %barrier3A = arith.constant 0 : index
    tpu.barrier barrier_id(%barrier3A)
    %scan3A = arith.constant 0 : i32
    %scan3A_15 = arith.constant 0 : i32
    %scan3A_16 = arith.constant 2 : i32
    %scan3A_17 = arith.addi %scan3A_15, %scan3A_16 : i32
    %scan3A_18 = arith.constant 1 : i32
    scf.for %scan3A_31 = %scan3A_15 to %scan3A_17 step %scan3A_18  : i32 {
      %mul3A_32 = arith.constant 40 : i32
      %mul3A_33 = arith.muli %scan3A_31, %mul3A_32 : i32
      %gt3A = arith.constant 0 : i32
      %gt3A_34 = arith.cmpi sgt, %scan3A_31, %gt3A : i32
      %convert_element_type3A_35 = arith.extui %gt3A_34 : i1 to i32
      %cond3A_36 = arith.constant 0 : i32
      %cond3A_37 = arith.cmpi ne, %convert_element_type3A_35, %cond3A_36 : i32
      scf.if %cond3A_37 {
        "tpu.region"() ({
          %run_scoped3A = tpu.sem_alloc : memref<!tpu.dma_semaphore, #tpu.memory_space<semaphore_mem>>
          %dma_start3A_51 = arith.constant 0 : i32
          %dma_start3A_52 = tpu.memref_slice %arg5[%add3A, %mul3A_33, %dma_start3A_51] : memref<32x80x128xi32, #tpu.memory_space<hbm>> -> memref<1x40x128xi32, #tpu.memory_space<hbm>>
          %dma_start3A_53 = tpu.memref_squeeze %dma_start3A_52 : memref<1x40x128xi32, #tpu.memory_space<hbm>> -> memref<40x128xi32, #tpu.memory_space<hbm>>
          %dma_start3A_54 = arith.constant 0 : i32
          %dma_start3A_55 = tpu.memref_slice %arg5[%add3A, %mul3A_33, %dma_start3A_54] : memref<32x80x128xi32, #tpu.memory_space<hbm>> -> memref<1x40x128xi32, #tpu.memory_space<hbm>>
          %dma_start3A_56 = tpu.memref_squeeze %dma_start3A_55 : memref<1x40x128xi32, #tpu.memory_space<hbm>> -> memref<40x128xi32, #tpu.memory_space<hbm>>
          tpu.enqueue_dma source(%dma_start3A_56 : memref<40x128xi32, #tpu.memory_space<hbm>>) target(%arg8 : memref<40x128xi32, #tpu.memory_space<vmem>>) target_semaphore(%run_scoped3A : memref<!tpu.dma_semaphore, #tpu.memory_space<semaphore_mem>>)
          %dma_wait3A = arith.constant 0 : i32
          %dma_wait3A_57 = tpu.memref_slice %arg5[%add3A, %mul3A_33, %dma_wait3A] : memref<32x80x128xi32, #tpu.memory_space<hbm>> -> memref<1x40x128xi32, #tpu.memory_space<hbm>>
          %dma_wait3A_58 = tpu.memref_squeeze %dma_wait3A_57 : memref<1x40x128xi32, #tpu.memory_space<hbm>> -> memref<40x128xi32, #tpu.memory_space<hbm>>
          %dma_wait3A_59 = arith.constant 0 : i32
          %dma_wait3A_60 = tpu.memref_slice %arg5[%add3A, %mul3A_33, %dma_wait3A_59] : memref<32x80x128xi32, #tpu.memory_space<hbm>> -> memref<1x40x128xi32, #tpu.memory_space<hbm>>
          %dma_wait3A_61 = tpu.memref_squeeze %dma_wait3A_60 : memref<1x40x128xi32, #tpu.memory_space<hbm>> -> memref<40x128xi32, #tpu.memory_space<hbm>>
          tpu.wait_dma2 semaphore(%run_scoped3A : memref<!tpu.dma_semaphore, #tpu.memory_space<semaphore_mem>>) src(%dma_wait3A_61 : memref<40x128xi32, #tpu.memory_space<hbm>>) dst(%arg8 : memref<40x128xi32, #tpu.memory_space<vmem>>)
          tpu.yield
        }) : () -> ()
        "tpu.region"() ({
          %run_scoped3A = tpu.sem_alloc : memref<!tpu.dma_semaphore, #tpu.memory_space<semaphore_mem>>
          %dma_start3A_51 = arith.constant 0 : i32
          %dma_start3A_52 = tpu.memref_slice %arg6[%add3A, %mul3A_33, %dma_start3A_51] : memref<32x80x128xi32, #tpu.memory_space<hbm>> -> memref<1x40x128xi32, #tpu.memory_space<hbm>>
          %dma_start3A_53 = tpu.memref_squeeze %dma_start3A_52 : memref<1x40x128xi32, #tpu.memory_space<hbm>> -> memref<40x128xi32, #tpu.memory_space<hbm>>
          %dma_start3A_54 = arith.constant 0 : i32
          %dma_start3A_55 = tpu.memref_slice %arg6[%add3A, %mul3A_33, %dma_start3A_54] : memref<32x80x128xi32, #tpu.memory_space<hbm>> -> memref<1x40x128xi32, #tpu.memory_space<hbm>>
          %dma_start3A_56 = tpu.memref_squeeze %dma_start3A_55 : memref<1x40x128xi32, #tpu.memory_space<hbm>> -> memref<40x128xi32, #tpu.memory_space<hbm>>
          tpu.enqueue_dma source(%dma_start3A_56 : memref<40x128xi32, #tpu.memory_space<hbm>>) target(%arg9 : memref<40x128xi32, #tpu.memory_space<vmem>>) target_semaphore(%run_scoped3A : memref<!tpu.dma_semaphore, #tpu.memory_space<semaphore_mem>>)
          %dma_wait3A = arith.constant 0 : i32
          %dma_wait3A_57 = tpu.memref_slice %arg6[%add3A, %mul3A_33, %dma_wait3A] : memref<32x80x128xi32, #tpu.memory_space<hbm>> -> memref<1x40x128xi32, #tpu.memory_space<hbm>>
          %dma_wait3A_58 = tpu.memref_squeeze %dma_wait3A_57 : memref<1x40x128xi32, #tpu.memory_space<hbm>> -> memref<40x128xi32, #tpu.memory_space<hbm>>
          %dma_wait3A_59 = arith.constant 0 : i32
          %dma_wait3A_60 = tpu.memref_slice %arg6[%add3A, %mul3A_33, %dma_wait3A_59] : memref<32x80x128xi32, #tpu.memory_space<hbm>> -> memref<1x40x128xi32, #tpu.memory_space<hbm>>
          %dma_wait3A_61 = tpu.memref_squeeze %dma_wait3A_60 : memref<1x40x128xi32, #tpu.memory_space<hbm>> -> memref<40x128xi32, #tpu.memory_space<hbm>>
          tpu.wait_dma2 semaphore(%run_scoped3A : memref<!tpu.dma_semaphore, #tpu.memory_space<semaphore_mem>>) src(%dma_wait3A_61 : memref<40x128xi32, #tpu.memory_space<hbm>>) dst(%arg9 : memref<40x128xi32, #tpu.memory_space<vmem>>)
          tpu.yield
        }) : () -> ()
        %dma_start3A_44 = arith.constant 0 : i32
        %dma_start3A_45 = arith.constant 0 : i32
        %dma_start3A_46 = tpu.memref_slice %arg8[%dma_start3A_44, %dma_start3A_45] : memref<40x128xi32, #tpu.memory_space<vmem>> -> memref<1x128xi32, #tpu.memory_space<vmem>>
        %dma_start3A_47 = tpu.memref_squeeze %dma_start3A_46 : memref<1x128xi32, #tpu.memory_space<vmem>> -> memref<128xi32, #tpu.memory_space<vmem>>
        %dma_start3A_48 = arith.constant 0 : i32
        %dma_start3A_49 = arith.constant 0 : i32
        %dma_start3A_50 = tpu.memref_slice %arg2[%dma_start3A_48, %dma_start3A_49] : memref<10000x128xf32, #tpu.memory_space<hbm>> -> memref<10000x128xf32, #tpu.memory_space<hbm>>
        tpu.enqueue_indirect_dma source(%dma_start3A_50 : memref<10000x128xf32, #tpu.memory_space<hbm>>) target(%arg10 : memref<128x128xf32, #tpu.memory_space<vmem>>) offsets(%dma_start3A_47 : memref<128xi32, #tpu.memory_space<vmem>>) semaphore(%arg13 : memref<!tpu.dma_semaphore, #tpu.memory_space<semaphore_mem>>)
      } else {
      }
      %scan3A_38 = arith.constant 0 : i32
      %scan3A_39 = arith.constant 0 : i32
      %scan3A_40 = arith.constant 20 : i32
      %scan3A_41 = arith.addi %scan3A_39, %scan3A_40 : i32
      %scan3A_42 = arith.constant 1 : i32
      scf.for %scan3A_44 = %scan3A_39 to %scan3A_41 step %scan3A_42  : i32 {
        %mul3A_45 = arith.constant 2 : i32
        %mul3A_46 = arith.muli %scan3A_44, %mul3A_45 : i32
        %add3A_47 = arith.constant 1 : i32
        %add3A_48 = arith.addi %mul3A_46, %add3A_47 : i32
        %dma_start3A_49 = arith.constant 0 : i32
        %dma_start3A_50 = tpu.memref_slice %arg8[%add3A_48, %dma_start3A_49] : memref<40x128xi32, #tpu.memory_space<vmem>> -> memref<1x128xi32, #tpu.memory_space<vmem>>
        %dma_start3A_51 = tpu.memref_squeeze %dma_start3A_50 : memref<1x128xi32, #tpu.memory_space<vmem>> -> memref<128xi32, #tpu.memory_space<vmem>>
        %dma_start3A_52 = arith.constant 0 : i32
        %dma_start3A_53 = arith.constant 0 : i32
        %dma_start3A_54 = tpu.memref_slice %arg2[%dma_start3A_52, %dma_start3A_53] : memref<10000x128xf32, #tpu.memory_space<hbm>> -> memref<10000x128xf32, #tpu.memory_space<hbm>>
        tpu.enqueue_indirect_dma source(%dma_start3A_54 : memref<10000x128xf32, #tpu.memory_space<hbm>>) target(%arg11 : memref<128x128xf32, #tpu.memory_space<vmem>>) offsets(%dma_start3A_51 : memref<128xi32, #tpu.memory_space<vmem>>) semaphore(%arg14 : memref<!tpu.dma_semaphore, #tpu.memory_space<semaphore_mem>>)
        %dma_wait3A = arith.constant 0 : i32
        %dma_wait3A_55 = arith.constant 0 : i32
        %dma_wait3A_56 = tpu.memref_slice %arg2[%dma_wait3A, %dma_wait3A_55] : memref<10000x128xf32, #tpu.memory_space<hbm>> -> memref<128x128xf32, #tpu.memory_space<hbm>>
        %dma_wait3A_57 = arith.constant 0 : i32
        %dma_wait3A_58 = arith.constant 0 : i32
        %dma_wait3A_59 = tpu.memref_slice %arg2[%dma_wait3A_57, %dma_wait3A_58] : memref<10000x128xf32, #tpu.memory_space<hbm>> -> memref<128x128xf32, #tpu.memory_space<hbm>>
        tpu.wait_dma2 semaphore(%arg13 : memref<!tpu.dma_semaphore, #tpu.memory_space<semaphore_mem>>) src(%dma_wait3A_59 : memref<128x128xf32, #tpu.memory_space<hbm>>) dst(%arg10 : memref<128x128xf32, #tpu.memory_space<vmem>>)
        "tpu.region"() ({
          %run_scoped3A = tpu.sem_alloc : memref<!tpu.dma_semaphore, #tpu.memory_space<semaphore_mem>>
          %dma_start3A_73 = arith.constant 0 : i32
          %dma_start3A_74 = tpu.memref_slice %arg9[%mul3A_46, %dma_start3A_73] : memref<40x128xi32, #tpu.memory_space<vmem>> -> memref<1x128xi32, #tpu.memory_space<vmem>>
          %dma_start3A_75 = tpu.memref_squeeze %dma_start3A_74 : memref<1x128xi32, #tpu.memory_space<vmem>> -> memref<128xi32, #tpu.memory_space<vmem>>
          %dma_start3A_76 = arith.constant 0 : i32
          %dma_start3A_77 = arith.constant 0 : i32
          %dma_start3A_78 = tpu.memref_slice %arg12[%dma_start3A_76, %dma_start3A_77] : memref<10896x128xf32, #tpu.memory_space<vmem_shared>> -> memref<10896x128xf32, #tpu.memory_space<vmem_shared>>
          tpu.enqueue_indirect_dma source(%arg10 : memref<128x128xf32, #tpu.memory_space<vmem>>) target(%dma_start3A_78 : memref<10896x128xf32, #tpu.memory_space<vmem_shared>>) offsets(%dma_start3A_75 : memref<128xi32, #tpu.memory_space<vmem>>) semaphore(%run_scoped3A : memref<!tpu.dma_semaphore, #tpu.memory_space<semaphore_mem>>) {add = true}
          %dma_wait3A_79 = arith.constant 0 : i32
          %dma_wait3A_80 = tpu.memref_slice %arg9[%mul3A_46, %dma_wait3A_79] : memref<40x128xi32, #tpu.memory_space<vmem>> -> memref<1x128xi32, #tpu.memory_space<vmem>>
          %dma_wait3A_81 = tpu.memref_squeeze %dma_wait3A_80 : memref<1x128xi32, #tpu.memory_space<vmem>> -> memref<128xi32, #tpu.memory_space<vmem>>
          %dma_wait3A_82 = arith.constant 0 : i32
          %dma_wait3A_83 = arith.constant 0 : i32
          %dma_wait3A_84 = tpu.memref_slice %arg12[%dma_wait3A_82, %dma_wait3A_83] : memref<10896x128xf32, #tpu.memory_space<vmem_shared>> -> memref<10896x128xf32, #tpu.memory_space<vmem_shared>>
          tpu.wait_indirect_dma semaphore(%run_scoped3A : memref<!tpu.dma_semaphore, #tpu.memory_space<semaphore_mem>>) src(%arg10 : memref<128x128xf32, #tpu.memory_space<vmem>>) dst(%dma_wait3A_84 : memref<10896x128xf32, #tpu.memory_space<vmem_shared>>)
          tpu.yield
        }) : () -> ()
        %add3A_60 = arith.constant 2 : i32
        %add3A_61 = arith.addi %mul3A_46, %add3A_60 : i32
        %lt3A_62 = arith.constant 40 : i32
        %lt3A_63 = arith.cmpi slt, %add3A_61, %lt3A_62 : i32
        %convert_element_type3A_64 = arith.extui %lt3A_63 : i1 to i32
        %cond3A_65 = arith.constant 0 : i32
        %cond3A_66 = arith.cmpi ne, %convert_element_type3A_64, %cond3A_65 : i32
        scf.if %cond3A_66 {
          %add3A_73 = arith.constant 2 : i32
          %add3A_74 = arith.addi %mul3A_46, %add3A_73 : i32
          %dma_start3A_75 = arith.constant 0 : i32
          %dma_start3A_76 = tpu.memref_slice %arg8[%add3A_74, %dma_start3A_75] : memref<40x128xi32, #tpu.memory_space<vmem>> -> memref<1x128xi32, #tpu.memory_space<vmem>>
          %dma_start3A_77 = tpu.memref_squeeze %dma_start3A_76 : memref<1x128xi32, #tpu.memory_space<vmem>> -> memref<128xi32, #tpu.memory_space<vmem>>
          %dma_start3A_78 = arith.constant 0 : i32
          %dma_start3A_79 = arith.constant 0 : i32
          %dma_start3A_80 = tpu.memref_slice %arg2[%dma_start3A_78, %dma_start3A_79] : memref<10000x128xf32, #tpu.memory_space<hbm>> -> memref<10000x128xf32, #tpu.memory_space<hbm>>
          tpu.enqueue_indirect_dma source(%dma_start3A_80 : memref<10000x128xf32, #tpu.memory_space<hbm>>) target(%arg10 : memref<128x128xf32, #tpu.memory_space<vmem>>) offsets(%dma_start3A_77 : memref<128xi32, #tpu.memory_space<vmem>>) semaphore(%arg13 : memref<!tpu.dma_semaphore, #tpu.memory_space<semaphore_mem>>)
        } else {
        }
        %dma_wait3A_67 = arith.constant 0 : i32
        %dma_wait3A_68 = arith.constant 0 : i32
        %dma_wait3A_69 = tpu.memref_slice %arg2[%dma_wait3A_67, %dma_wait3A_68] : memref<10000x128xf32, #tpu.memory_space<hbm>> -> memref<128x128xf32, #tpu.memory_space<hbm>>
        %dma_wait3A_70 = arith.constant 0 : i32
        %dma_wait3A_71 = arith.constant 0 : i32
        %dma_wait3A_72 = tpu.memref_slice %arg2[%dma_wait3A_70, %dma_wait3A_71] : memref<10000x128xf32, #tpu.memory_space<hbm>> -> memref<128x128xf32, #tpu.memory_space<hbm>>
        tpu.wait_dma2 semaphore(%arg14 : memref<!tpu.dma_semaphore, #tpu.memory_space<semaphore_mem>>) src(%dma_wait3A_72 : memref<128x128xf32, #tpu.memory_space<hbm>>) dst(%arg11 : memref<128x128xf32, #tpu.memory_space<vmem>>)
        "tpu.region"() ({
          %run_scoped3A = tpu.sem_alloc : memref<!tpu.dma_semaphore, #tpu.memory_space<semaphore_mem>>
          %dma_start3A_73 = arith.constant 0 : i32
          %dma_start3A_74 = tpu.memref_slice %arg9[%add3A_48, %dma_start3A_73] : memref<40x128xi32, #tpu.memory_space<vmem>> -> memref<1x128xi32, #tpu.memory_space<vmem>>
          %dma_start3A_75 = tpu.memref_squeeze %dma_start3A_74 : memref<1x128xi32, #tpu.memory_space<vmem>> -> memref<128xi32, #tpu.memory_space<vmem>>
          %dma_start3A_76 = arith.constant 0 : i32
          %dma_start3A_77 = arith.constant 0 : i32
          %dma_start3A_78 = tpu.memref_slice %arg12[%dma_start3A_76, %dma_start3A_77] : memref<10896x128xf32, #tpu.memory_space<vmem_shared>> -> memref<10896x128xf32, #tpu.memory_space<vmem_shared>>
          tpu.enqueue_indirect_dma source(%arg11 : memref<128x128xf32, #tpu.memory_space<vmem>>) target(%dma_start3A_78 : memref<10896x128xf32, #tpu.memory_space<vmem_shared>>) offsets(%dma_start3A_75 : memref<128xi32, #tpu.memory_space<vmem>>) semaphore(%run_scoped3A : memref<!tpu.dma_semaphore, #tpu.memory_space<semaphore_mem>>) {add = true}
          %dma_wait3A_79 = arith.constant 0 : i32
          %dma_wait3A_80 = tpu.memref_slice %arg9[%add3A_48, %dma_wait3A_79] : memref<40x128xi32, #tpu.memory_space<vmem>> -> memref<1x128xi32, #tpu.memory_space<vmem>>
          %dma_wait3A_81 = tpu.memref_squeeze %dma_wait3A_80 : memref<1x128xi32, #tpu.memory_space<vmem>> -> memref<128xi32, #tpu.memory_space<vmem>>
          %dma_wait3A_82 = arith.constant 0 : i32
          %dma_wait3A_83 = arith.constant 0 : i32
          %dma_wait3A_84 = tpu.memref_slice %arg12[%dma_wait3A_82, %dma_wait3A_83] : memref<10896x128xf32, #tpu.memory_space<vmem_shared>> -> memref<10896x128xf32, #tpu.memory_space<vmem_shared>>
          tpu.wait_indirect_dma semaphore(%run_scoped3A : memref<!tpu.dma_semaphore, #tpu.memory_space<semaphore_mem>>) src(%arg11 : memref<128x128xf32, #tpu.memory_space<vmem>>) dst(%dma_wait3A_84 : memref<10896x128xf32, #tpu.memory_space<vmem_shared>>)
          tpu.yield
        }) : () -> ()
      }
      %scan3A_43 = arith.constant 20 : i32
    }
    %scan3A_19 = arith.constant 2 : i32
    %barrier3A_20 = arith.constant 0 : index
    tpu.barrier barrier_id(%barrier3A_20)
    %lt3A_21 = arith.constant 15 : i32
    %lt3A_22 = arith.cmpi slt, %arg1, %lt3A_21 : i32
    %convert_element_type3A_23 = arith.extui %lt3A_22 : i1 to i32
    %cond3A_24 = arith.constant 0 : i32
    %cond3A_25 = arith.cmpi ne, %convert_element_type3A_23, %cond3A_24 : i32
    scf.if %cond3A_25 {
      %mul3A_31 = arith.constant 10000 : i32
      %mul3A_32 = arith.muli %arg0, %mul3A_31 : i32
      %add3A_33 = arith.addi %mul3A_32, %mul3A_2 : i32
      "tpu.region"() ({
        %run_scoped3A = tpu.sem_alloc : memref<!tpu.dma_semaphore, #tpu.memory_space<semaphore_mem>>
        %dma_start3A_34 = arith.constant 0 : i32
        %dma_start3A_35 = tpu.memref_slice %arg7[%add3A_33, %dma_start3A_34] : memref<20000x128xf32, #tpu.memory_space<hbm>> -> memref<632x128xf32, #tpu.memory_space<hbm>>
        %dma_start3A_36 = arith.constant 0 : i32
        %dma_start3A_37 = tpu.memref_slice %arg12[%mul3A_2, %dma_start3A_36] : memref<10896x128xf32, #tpu.memory_space<vmem_shared>> -> memref<632x128xf32, #tpu.memory_space<vmem_shared>>
        tpu.enqueue_dma source(%dma_start3A_37 : memref<632x128xf32, #tpu.memory_space<vmem_shared>>) target(%dma_start3A_35 : memref<632x128xf32, #tpu.memory_space<hbm>>) target_semaphore(%run_scoped3A : memref<!tpu.dma_semaphore, #tpu.memory_space<semaphore_mem>>)
        %dma_wait3A = arith.constant 0 : i32
        %dma_wait3A_38 = tpu.memref_slice %arg7[%add3A_33, %dma_wait3A] : memref<20000x128xf32, #tpu.memory_space<hbm>> -> memref<632x128xf32, #tpu.memory_space<hbm>>
        %dma_wait3A_39 = arith.constant 0 : i32
        %dma_wait3A_40 = tpu.memref_slice %arg12[%mul3A_2, %dma_wait3A_39] : memref<10896x128xf32, #tpu.memory_space<vmem_shared>> -> memref<632x128xf32, #tpu.memory_space<vmem_shared>>
        tpu.wait_dma2 semaphore(%run_scoped3A : memref<!tpu.dma_semaphore, #tpu.memory_space<semaphore_mem>>) src(%dma_wait3A_40 : memref<632x128xf32, #tpu.memory_space<vmem_shared>>) dst(%dma_wait3A_38 : memref<632x128xf32, #tpu.memory_space<hbm>>)
        tpu.yield
      }) : () -> ()
    } else {
    }
    %eq3A_26 = arith.constant 15 : i32
    %eq3A_27 = arith.cmpi eq, %arg1, %eq3A_26 : i32
    %convert_element_type3A_28 = arith.extui %eq3A_27 : i1 to i32
    %cond3A_29 = arith.constant 0 : i32
    %cond3A_30 = arith.cmpi ne, %convert_element_type3A_28, %cond3A_29 : i32
    scf.if %cond3A_30 {
      %mul3A_31 = arith.constant 10000 : i32
      %mul3A_32 = arith.muli %arg0, %mul3A_31 : i32
      %add3A_33 = arith.addi %mul3A_32, %mul3A_2 : i32
      "tpu.region"() ({
        %run_scoped3A = tpu.sem_alloc : memref<!tpu.dma_semaphore, #tpu.memory_space<semaphore_mem>>
        %dma_start3A_34 = arith.constant 0 : i32
        %dma_start3A_35 = tpu.memref_slice %arg7[%add3A_33, %dma_start3A_34] : memref<20000x128xf32, #tpu.memory_space<hbm>> -> memref<520x128xf32, #tpu.memory_space<hbm>>
        %dma_start3A_36 = arith.constant 0 : i32
        %dma_start3A_37 = tpu.memref_slice %arg12[%mul3A_2, %dma_start3A_36] : memref<10896x128xf32, #tpu.memory_space<vmem_shared>> -> memref<520x128xf32, #tpu.memory_space<vmem_shared>>
        tpu.enqueue_dma source(%dma_start3A_37 : memref<520x128xf32, #tpu.memory_space<vmem_shared>>) target(%dma_start3A_35 : memref<520x128xf32, #tpu.memory_space<hbm>>) target_semaphore(%run_scoped3A : memref<!tpu.dma_semaphore, #tpu.memory_space<semaphore_mem>>)
        %dma_wait3A = arith.constant 0 : i32
        %dma_wait3A_38 = tpu.memref_slice %arg7[%add3A_33, %dma_wait3A] : memref<20000x128xf32, #tpu.memory_space<hbm>> -> memref<520x128xf32, #tpu.memory_space<hbm>>
        %dma_wait3A_39 = arith.constant 0 : i32
        %dma_wait3A_40 = tpu.memref_slice %arg12[%mul3A_2, %dma_wait3A_39] : memref<10896x128xf32, #tpu.memory_space<vmem_shared>> -> memref<520x128xf32, #tpu.memory_space<vmem_shared>>
        tpu.wait_dma2 semaphore(%run_scoped3A : memref<!tpu.dma_semaphore, #tpu.memory_space<semaphore_mem>>) src(%dma_wait3A_40 : memref<520x128xf32, #tpu.memory_space<vmem_shared>>) dst(%dma_wait3A_38 : memref<520x128xf32, #tpu.memory_space<hbm>>)
        tpu.yield
      }) : () -> ()
    } else {
    }
    return
  }
}

module attributes {stable_mosaic.version = 14 : i64} {
  func.func @_pre_block(%arg0: i32, %arg1: memref<1000x128xf32, #tpu.memory_space<vmem>>, %arg2: memref<128x128xf32, #tpu.memory_space<vmem>>, %arg3: memref<1x128xf32, #tpu.memory_space<vmem>>, %arg4: memref<1x128xf32, #tpu.memory_space<vmem>>, %arg5: memref<1x128xf32, #tpu.memory_space<vmem>>, %arg6: memref<1000x128xf32, #tpu.memory_space<vmem>>, %arg7: memref<1x1xf32, #tpu.memory_space<vmem>>, %arg8: memref<1000x128xf32, #tpu.memory_space<vmem>>, %arg9: memref<1000x128xf32, #tpu.memory_space<vmem>>) attributes {dimension_semantics = [#tpu.dimension_semantics<arbitrary>], iteration_bounds = array<i64: 10>, scalar_prefetch = 0 : i64, scratch_operands = 0 : i64, tpu.core_type = #tpu.core_type<tc>, window_params = [{transform_indices = @transform_0, window_bounds = array<i64: 1000, 128>}, {pipeline_mode = #tpu.pipeline_mode<synchronous>, transform_indices = @transform_1, window_bounds = array<i64: 128, 128>}, {pipeline_mode = #tpu.pipeline_mode<synchronous>, transform_indices = @transform_2, window_bounds = array<i64: 1, 128>}, {pipeline_mode = #tpu.pipeline_mode<synchronous>, transform_indices = @transform_3, window_bounds = array<i64: 1, 128>}, {pipeline_mode = #tpu.pipeline_mode<synchronous>, transform_indices = @transform_4, window_bounds = array<i64: 1, 128>}, {transform_indices = @transform_5, window_bounds = array<i64: 1000, 128>}, {pipeline_mode = #tpu.pipeline_mode<synchronous>, transform_indices = @transform_6, window_bounds = array<i64: 1, 1>}, {transform_indices = @transform_7, window_bounds = array<i64: 1000, 128>}, {transform_indices = @transform_8, window_bounds = array<i64: 1000, 128>}]} {
    %get3A = arith.constant 0 : index
    %get3A_0 = arith.constant 0 : index
    %get3A_1 = vector.load %arg1[%get3A, %get3A_0] : memref<1000x128xf32, #tpu.memory_space<vmem>>, vector<1000x128xf32>
    %get3A_2 = arith.constant 0 : index
    %get3A_3 = arith.constant 0 : index
    %get3A_4 = vector.load %arg2[%get3A_2, %get3A_3] : memref<128x128xf32, #tpu.memory_space<vmem>>, vector<128x128xf32>
    %dot_general3A = arith.constant dense<0.000000e+00> : vector<1000x128xf32>
    %dot_general3A_5 = tpu.matmul %get3A_1, %get3A_4, %dot_general3A {dimension_numbers = #tpu.dot_dimension_numbers<[1], [0], [0], [1], [0, 0, 1, 1], [], []>, transpose_lhs_hint = false} : vector<1000x128xf32>, vector<128x128xf32>, vector<1000x128xf32> -> vector<1000x128xf32>
    %get3A_6 = arith.constant 0 : index
    %get3A_7 = arith.constant 0 : index
    %get3A_8 = vector.load %arg3[%get3A_6, %get3A_7] : memref<1x128xf32, #tpu.memory_space<vmem>>, vector<1x128xf32>
    %add3A = vector.broadcast %get3A_8 : vector<1x128xf32> to vector<1000x128xf32>
    %add3A_9 = arith.addf %dot_general3A_5, %add3A : vector<1000x128xf32>
    %reduce_sum3A = arith.constant dense<0.000000e+00> : vector<1000xf32>
    %reduce_sum3A_10 = vector.multi_reduction <add>, %add3A_9, %reduce_sum3A [1] : vector<1000x128xf32> to vector<1000xf32>
    %broadcast_in_dim3A = vector.shape_cast %reduce_sum3A_10 : vector<1000xf32> to vector<1000x1xf32>
    %div3A = arith.constant 1.280000e+02 : f32
    %div3A_11 = vector.broadcast %div3A : f32 to vector<1000x1xf32>
    %div3A_12 = arith.divf %broadcast_in_dim3A, %div3A_11 : vector<1000x1xf32>
    %sub3A = vector.broadcast %div3A_12 : vector<1000x1xf32> to vector<1000x128xf32>
    %sub3A_13 = arith.subf %add3A_9, %sub3A : vector<1000x128xf32>
    %mul3A = arith.mulf %sub3A_13, %sub3A_13 : vector<1000x128xf32>
    %reduce_sum3A_14 = arith.constant dense<0.000000e+00> : vector<1000xf32>
    %reduce_sum3A_15 = vector.multi_reduction <add>, %mul3A, %reduce_sum3A_14 [1] : vector<1000x128xf32> to vector<1000xf32>
    %broadcast_in_dim3A_16 = vector.shape_cast %reduce_sum3A_15 : vector<1000xf32> to vector<1000x1xf32>
    %div3A_17 = arith.constant 1.280000e+02 : f32
    %div3A_18 = vector.broadcast %div3A_17 : f32 to vector<1000x1xf32>
    %div3A_19 = arith.divf %broadcast_in_dim3A_16, %div3A_18 : vector<1000x1xf32>
    %add3A_20 = arith.constant 9.99999974E-6 : f32
    %add3A_21 = vector.broadcast %add3A_20 : f32 to vector<1000x1xf32>
    %add3A_22 = arith.addf %div3A_19, %add3A_21 : vector<1000x1xf32>
    %rsqrt3A = math.rsqrt %add3A_22 : vector<1000x1xf32>
    %mul3A_23 = vector.broadcast %rsqrt3A : vector<1000x1xf32> to vector<1000x128xf32>
    %mul3A_24 = arith.mulf %sub3A_13, %mul3A_23 : vector<1000x128xf32>
    %get3A_25 = arith.constant 0 : index
    %get3A_26 = arith.constant 0 : index
    %get3A_27 = vector.load %arg4[%get3A_25, %get3A_26] : memref<1x128xf32, #tpu.memory_space<vmem>>, vector<1x128xf32>
    %mul3A_28 = vector.broadcast %get3A_27 : vector<1x128xf32> to vector<1000x128xf32>
    %mul3A_29 = arith.mulf %mul3A_24, %mul3A_28 : vector<1000x128xf32>
    %get3A_30 = arith.constant 0 : index
    %get3A_31 = arith.constant 0 : index
    %get3A_32 = vector.load %arg5[%get3A_30, %get3A_31] : memref<1x128xf32, #tpu.memory_space<vmem>>, vector<1x128xf32>
    %add3A_33 = vector.broadcast %get3A_32 : vector<1x128xf32> to vector<1000x128xf32>
    %add3A_34 = arith.addf %mul3A_29, %add3A_33 : vector<1000x128xf32>
    %swap3A = arith.constant 0 : index
    %swap3A_35 = arith.constant 0 : index
    %swap3A_36 = vector.load %arg8[%swap3A, %swap3A_35] : memref<1000x128xf32, #tpu.memory_space<vmem>>, vector<1000x128xf32>
    tpu.vector_store %arg8[%swap3A, %swap3A_35], %add3A_34 {strides = array<i32>} : memref<1000x128xf32, #tpu.memory_space<vmem>>, vector<1000x128xf32>,
    %get3A_37 = arith.constant 0 : index
    %get3A_38 = arith.constant 0 : index
    %get3A_39 = vector.load %arg7[%get3A_37, %get3A_38] : memref<1x1xf32, #tpu.memory_space<vmem>>, vector<1x1xf32>
    %get3A_40 = vector.extract %get3A_39[0, 0] : f32 from vector<1x1xf32>
    %get3A_41 = arith.constant 0 : index
    %get3A_42 = arith.constant 0 : index
    %get3A_43 = vector.load %arg6[%get3A_41, %get3A_42] : memref<1000x128xf32, #tpu.memory_space<vmem>>, vector<1000x128xf32>
    %mul3A_44 = vector.broadcast %get3A_40 : f32 to vector<1000x128xf32>
    %mul3A_45 = arith.mulf %mul3A_44, %get3A_43 : vector<1000x128xf32>
    %swap3A_46 = arith.constant 0 : index
    %swap3A_47 = arith.constant 0 : index
    %swap3A_48 = vector.load %arg9[%swap3A_46, %swap3A_47] : memref<1000x128xf32, #tpu.memory_space<vmem>>, vector<1000x128xf32>
    tpu.vector_store %arg9[%swap3A_46, %swap3A_47], %mul3A_45 {strides = array<i32>} : memref<1000x128xf32, #tpu.memory_space<vmem>>, vector<1000x128xf32>,
    return
  }
  func.func @transform_0(%arg0: i32) -> (i32, i32) {
    %c0_i32 = arith.constant 0 : i32
    %c0_i32_0 = arith.constant 0 : i32
    return %arg0, %c0_i32 : i32, i32
  }
  func.func @transform_1(%arg0: i32) -> (i32, i32) {
    %c0_i32 = arith.constant 0 : i32
    %c0_i32_0 = arith.constant 0 : i32
    %c0_i32_1 = arith.constant 0 : i32
    return %c0_i32, %c0_i32_0 : i32, i32
  }
  func.func @transform_2(%arg0: i32) -> (i32, i32) {
    %c0_i32 = arith.constant 0 : i32
    %c0_i32_0 = arith.constant 0 : i32
    %c0_i32_1 = arith.constant 0 : i32
    return %c0_i32, %c0_i32_0 : i32, i32
  }
  func.func @transform_3(%arg0: i32) -> (i32, i32) {
    %c0_i32 = arith.constant 0 : i32
    %c0_i32_0 = arith.constant 0 : i32
    %c0_i32_1 = arith.constant 0 : i32
    return %c0_i32, %c0_i32_0 : i32, i32
  }
  func.func @transform_4(%arg0: i32) -> (i32, i32) {
    %c0_i32 = arith.constant 0 : i32
    %c0_i32_0 = arith.constant 0 : i32
    %c0_i32_1 = arith.constant 0 : i32
    return %c0_i32, %c0_i32_0 : i32, i32
  }
  func.func @transform_5(%arg0: i32) -> (i32, i32) {
    %c0_i32 = arith.constant 0 : i32
    %c0_i32_0 = arith.constant 0 : i32
    return %arg0, %c0_i32 : i32, i32
  }
  func.func @transform_6(%arg0: i32) -> (i32, i32) {
    %c0_i32 = arith.constant 0 : i32
    %c0_i32_0 = arith.constant 0 : i32
    %c0_i32_1 = arith.constant 0 : i32
    return %c0_i32, %c0_i32_0 : i32, i32
  }
  func.func @transform_7(%arg0: i32) -> (i32, i32) {
    %c0_i32 = arith.constant 0 : i32
    %c0_i32_0 = arith.constant 0 : i32
    return %arg0, %c0_i32 : i32, i32
  }
  func.func @transform_8(%arg0: i32) -> (i32, i32) {
    %c0_i32 = arith.constant 0 : i32
    %c0_i32_0 = arith.constant 0 : i32
    return %arg0, %c0_i32 : i32, i32
  }
}

module attributes {stable_mosaic.version = 14 : i64} {
  func.func @_post_block(%arg0: i32, %arg1: memref<1000x128xf32, #tpu.memory_space<vmem>>, %arg2: memref<1000x128xf32, #tpu.memory_space<vmem>>, %arg3: memref<128x128xf32, #tpu.memory_space<vmem>>, %arg4: memref<1x128xf32, #tpu.memory_space<vmem>>, %arg5: memref<1000x128xf32, #tpu.memory_space<vmem>>) attributes {dimension_semantics = [#tpu.dimension_semantics<arbitrary>], iteration_bounds = array<i64: 10>, scalar_prefetch = 0 : i64, scratch_operands = 0 : i64, tpu.core_type = #tpu.core_type<tc>, window_params = [{transform_indices = @transform_0, window_bounds = array<i64: 1000, 128>}, {transform_indices = @transform_1, window_bounds = array<i64: 1000, 128>}, {pipeline_mode = #tpu.pipeline_mode<synchronous>, transform_indices = @transform_2, window_bounds = array<i64: 128, 128>}, {pipeline_mode = #tpu.pipeline_mode<synchronous>, transform_indices = @transform_3, window_bounds = array<i64: 1, 128>}, {transform_indices = @transform_4, window_bounds = array<i64: 1000, 128>}]} {
    %get3A = arith.constant 0 : index
    %get3A_0 = arith.constant 0 : index
    %get3A_1 = vector.load %arg1[%get3A, %get3A_0] : memref<1000x128xf32, #tpu.memory_space<vmem>>, vector<1000x128xf32>
    %get3A_2 = arith.constant 0 : index
    %get3A_3 = arith.constant 0 : index
    %get3A_4 = vector.load %arg2[%get3A_2, %get3A_3] : memref<1000x128xf32, #tpu.memory_space<vmem>>, vector<1000x128xf32>
    %add3A = arith.addf %get3A_1, %get3A_4 : vector<1000x128xf32>
    %max3A = arith.constant 0.000000e+00 : f32
    %max3A_5 = vector.broadcast %max3A : f32 to vector<1000x128xf32>
    %max3A_6 = arith.maximumf %add3A, %max3A_5 : vector<1000x128xf32>
    %get3A_7 = arith.constant 0 : index
    %get3A_8 = arith.constant 0 : index
    %get3A_9 = vector.load %arg3[%get3A_7, %get3A_8] : memref<128x128xf32, #tpu.memory_space<vmem>>, vector<128x128xf32>
    %dot_general3A = arith.constant dense<0.000000e+00> : vector<1000x128xf32>
    %dot_general3A_10 = tpu.matmul %max3A_6, %get3A_9, %dot_general3A {dimension_numbers = #tpu.dot_dimension_numbers<[1], [0], [0], [1], [0, 0, 1, 1], [], []>, transpose_lhs_hint = false} : vector<1000x128xf32>, vector<128x128xf32>, vector<1000x128xf32> -> vector<1000x128xf32>
    %get3A_11 = arith.constant 0 : index
    %get3A_12 = arith.constant 0 : index
    %get3A_13 = vector.load %arg4[%get3A_11, %get3A_12] : memref<1x128xf32, #tpu.memory_space<vmem>>, vector<1x128xf32>
    %add3A_14 = vector.broadcast %get3A_13 : vector<1x128xf32> to vector<1000x128xf32>
    %add3A_15 = arith.addf %dot_general3A_10, %add3A_14 : vector<1000x128xf32>
    %add3A_16 = arith.addf %add3A_15, %max3A_6 : vector<1000x128xf32>
    %swap3A = arith.constant 0 : index
    %swap3A_17 = arith.constant 0 : index
    %swap3A_18 = vector.load %arg5[%swap3A, %swap3A_17] : memref<1000x128xf32, #tpu.memory_space<vmem>>, vector<1000x128xf32>
    tpu.vector_store %arg5[%swap3A, %swap3A_17], %add3A_16 {strides = array<i32>} : memref<1000x128xf32, #tpu.memory_space<vmem>>, vector<1000x128xf32>,
    return
  }
  func.func @transform_0(%arg0: i32) -> (i32, i32) {
    %c0_i32 = arith.constant 0 : i32
    %c0_i32_0 = arith.constant 0 : i32
    return %arg0, %c0_i32 : i32, i32
  }
  func.func @transform_1(%arg0: i32) -> (i32, i32) {
    %c0_i32 = arith.constant 0 : i32
    %c0_i32_0 = arith.constant 0 : i32
    return %arg0, %c0_i32 : i32, i32
  }
  func.func @transform_2(%arg0: i32) -> (i32, i32) {
    %c0_i32 = arith.constant 0 : i32
    %c0_i32_0 = arith.constant 0 : i32
    %c0_i32_1 = arith.constant 0 : i32
    return %c0_i32, %c0_i32_0 : i32, i32
  }
  func.func @transform_3(%arg0: i32) -> (i32, i32) {
    %c0_i32 = arith.constant 0 : i32
    %c0_i32_0 = arith.constant 0 : i32
    %c0_i32_1 = arith.constant 0 : i32
    return %c0_i32, %c0_i32_0 : i32, i32
  }
  func.func @transform_4(%arg0: i32) -> (i32, i32) {
    %c0_i32 = arith.constant 0 : i32
    %c0_i32_0 = arith.constant 0 : i32
    return %arg0, %c0_i32 : i32, i32
  }
}

</mosaic_0001>

<sc_bundles>
// kernel: kernel.5.cloned.1.call-start
scs
__scs_entry_jumppad:
0x0: {  	(pc) =	sbr.rel $0x88, $3  }
0x1: {  	(tag) =	ssettag $0x0;
	lr =	simm.s32 $0x1  }
0x2: {  	[smem:$0x3F94] =	sst lr;
	_ =	strace $0xD0000000  }
0x3: {  	_ = 	snop  }
0x4: {  	_ = 	snop  }
0x5: {  	_ = 	snop  }
0x6: {  	_ = 	snop  }
0x7: {  	_ = 	snop  }
__scs_overlays_trampoline_lowered:
0x8: {  	[smem:$0x3FA3] =	sst s0  }
0x9: {  	[smem:$0x3FA4] =	sst s1  }
0xa: {  	[smem:$0x3FA5] =	sst s2  }
0xb: {  	[smem:$0x3FA6] =	sst s3  }
0xc: {  	[smem:$0x3FA7] =	sst s4  }
0xd: {  	[smem:$0x3FA8] =	sst s5  }
0xe: {  	[smem:$0x3FA9] =	sst s6  }
0xf: {  	[smem:$0x3FAA] =	sst s7  }
0x10: {  	[smem:$0x3FAB] =	sst s8  }
0x11: {  	[smem:$0x3FAC] =	sst s9;
	s0 =	simm.s32 @!p0 $0x0  }
0x12: {  	s1 =	sld [smem:$0x3F92];
	s0 =	simm.s32 @p0 $0x1  }
0x13: {  	[smem:$0x3FAD] =	sst s0;
	s0 =	simm.s32 @!p1 $0x0  }
0x14: {  	s2 =	sld [smem:$0x3F91];
	s0 =	simm.s32 @p1 $0x1  }
0x15: {  	[smem:$0x3FAE] =	sst s0;
	s0 =	simm.s32 @!p2 $0x0  }
0x16: {  	s3 =	sld [smem:$0x3FDB];
	s0 =	simm.s32 @p2 $0x1  }
0x17: {  	s4 =	simm.s32 $0x1BF5;
	[smem:$0x3FB0] =	sst s0  }
0x18: {  	s0 =	sld [smem:$0x3F93];
	_ =	swait.ge [sflag:s4], $0x0  }
0x19: {  	s7 =	sld [smem:$0x3F94]  }
0x1a: {  	s8 =	sadd.s32 $0xFFFFE003, lr  }
0x1b: {  	s9 =	sadd.s32 $0xFFFFFEF7, lr;
	s5 =	simm.s32 $0xFFFFFFFF;
	p2 =	slt.u32 s8, $0xFFFFF086  }
0x1c: {  	p1 =	slt.u32 s9, $0xF7A;
	s5 =	simm.s32 @!p2 $0x0  }
0x1d: {  	s5 =	simm.s32 @p1 $0x1;
	p0 =	seq.s32 s7, s2  }
0x1e: {  	s7 =	smul.u32 @!p0 $0xF7A, s2;
	p2 =	seq.s32 @!p0 s5, $0x0  }
0x1f: {  	s9 =	smul.u32 $0xF7A, s1;
	s8 =	simm.s32 @!p0 $0x1BF5;
	p2 =	por !p2, p0  }
0x20: {  	[sflag:s8] =	ssyncset.s32 @!p0 $0xFFFFF086;
	s6 =	sadd.s32 @!p0 s3, s7;
	s7 =	simm.s32 @!p0 $0x108  }
0x21: {  	s3 =	sadd.s32 s3, s9;
	s6 =	sadd.s32 @!p0 $0x88, s6;
	s7 =	simm.s32 @p2 $0x1082  }
0x22: {  	[simem:s7], [sflag:s8] =	dma.local @!p0 [hbm:s6], $0xF7A  }
0x23: {  	s9 =	sor.u32 $0xD0000000, s2;
	s6 =	simm.s32 $0x108;
	_ =	swait.ge @!p0 [sflag:s8], $0x0  }
0x24: {  	s3 =	sadd.s32 $0x88, s3;
	s6 =	simm.s32 @!p1 $0x1082;
	[sflag:s4] =	ssyncset.s32 $0xFFFFF086  }
0x25: {  	[simem:s6], [sflag:s4] =	dma.local [hbm:s3], $0xF7A  }
0x26: {  	[smem:$0x3F94] =	sst s1;
	(tag) =	ssettag s2;
	_ =	strace s9  }
0x27: {  	s1 =	sld [smem:$0x3FA4]  }
0x28: {  	s2 =	sld [smem:$0x3FA5]  }
0x29: {  	s4 =	sld [smem:$0x3FA7]  }
0x2a: {  	p0 =	seq.s32 s5, $0x0;
	s5 =	sld [smem:$0x3FA8]  }
0x2b: {  	s6 =	sld [smem:$0x3FA9]  }
0x2c: {  	s7 =	sld [smem:$0x3FAA]  }
0x2d: {  	s3 =	simm.s32 $0x108;
	s8 =	sld [smem:$0x3FAB]  }
0x2e: {  	s3 =	simm.s32 @!p0 $0x1082;
	s9 =	sld [smem:$0x3FAC]  }
0x2f: {  	lr =	sadd.s32 s0, s3;
	s0 =	sld [smem:$0x3FA3]  }
0x30: {  	s3 =	sld [smem:$0x3FA6]  }
0x31: {  	[smem:$0x3FAF] =	sst s10  }
0x32: {  	s10 =	sld [smem:$0x3FAD];
	_ =	sdelay $0x3  }
0x33: {  	p0 =	seq.s32 s10, $0x1;
	s10 =	sld [smem:$0x3FAF];
	_ =	sdelay $0x3  }
0x34: {  	[smem:$0x3FAF] =	sst s10  }
0x35: {  	s10 =	sld [smem:$0x3FAE];
	_ =	sdelay $0x3  }
0x36: {  	p1 =	seq.s32 s10, $0x1;
	s10 =	sld [smem:$0x3FAF];
	_ =	sdelay $0x3  }
0x37: {  	[smem:$0x3FAF] =	sst s10  }
0x38: {  	s10 =	sld [smem:$0x3FB0]  }
0x39: {  	_ = 	snop;
	(pc) =	sbr.ind lr, $3  }
0x3a: {  	_ = 	snop  }
0x3b: {  	_ = 	snop  }
0x3c: {  	p2 =	seq.s32 s10, $0x1;
	s10 =	sld [smem:$0x3FAF]  }
0x3d: {  	_ =	shalt  }
0x3e: {  	_ =	shalt  }
0x3f: {  	_ =	shalt  }
0x40: {  	_ =	shalt  }
0x41: {  	_ =	shalt  }
0x42: {  	_ =	shalt  }
0x43: {  	_ =	shalt  }
0x44: {  	_ =	shalt  }
0x45: {  	_ =	shalt  }
0x46: {  	_ =	shalt  }
0x47: {  	_ =	shalt  }
0x48: {  	_ =	shalt  }
0x49: {  	_ =	shalt  }
0x4a: {  	_ =	shalt  }
0x4b: {  	_ =	shalt  }
0x4c: {  	_ =	shalt  }
0x4d: {  	_ =	shalt  }
0x4e: {  	_ =	shalt  }
0x4f: {  	_ =	shalt  }
0x50: {  	_ =	shalt  }
0x51: {  	_ =	shalt  }
0x52: {  	_ =	shalt  }
0x53: {  	_ =	shalt  }
0x54: {  	_ =	shalt  }
0x55: {  	_ =	shalt  }
0x56: {  	_ =	shalt  }
0x57: {  	_ =	shalt  }
0x58: {  	_ =	shalt  }
0x59: {  	_ =	shalt  }
0x5a: {  	_ =	shalt  }
0x5b: {  	_ =	shalt  }
0x5c: {  	_ =	shalt  }
0x5d: {  	_ =	shalt  }
0x5e: {  	_ =	shalt  }
0x5f: {  	_ =	shalt  }
0x60: {  	_ =	shalt  }
0x61: {  	_ =	shalt  }
0x62: {  	_ =	shalt  }
0x63: {  	_ =	shalt  }
0x64: {  	_ =	shalt  }
0x65: {  	_ =	shalt  }
0x66: {  	_ =	shalt  }
0x67: {  	_ =	shalt  }
0x68: {  	_ =	shalt  }
0x69: {  	_ =	shalt  }
0x6a: {  	_ =	shalt  }
0x6b: {  	_ =	shalt  }
0x6c: {  	_ =	shalt  }
0x6d: {  	_ =	shalt  }
0x6e: {  	_ =	shalt  }
0x6f: {  	_ =	shalt  }
0x70: {  	_ =	shalt  }
0x71: {  	_ =	shalt  }
0x72: {  	_ =	shalt  }
0x73: {  	_ =	shalt  }
0x74: {  	_ =	shalt  }
0x75: {  	_ =	shalt  }
0x76: {  	_ =	shalt  }
0x77: {  	_ =	shalt  }
0x78: {  	_ =	shalt  }
0x79: {  	_ =	shalt  }
0x7a: {  	_ =	shalt  }
0x7b: {  	_ =	shalt  }
0x7c: {  	_ =	shalt  }
0x7d: {  	_ =	shalt  }
0x7e: {  	_ =	shalt  }
0x7f: {  	_ =	shalt  }
0x80: {  	_ =	shalt  }
0x81: {  	_ =	shalt  }
0x82: {  	_ =	shalt  }
0x83: {  	_ =	shalt  }
0x84: {  	_ =	shalt  }
0x85: {  	_ =	shalt  }
0x86: {  	_ =	shalt  }
0x87: {  	_ =	shalt  }
.Lfunc_end0:
.L_simem_size_0:
called_computation_lowered:
.L_overlay_start_0:
0x88: {  	s2 =	sld [smem:$0x3FD9]  }
0x89: {  	s3 =	sld [smem:$0x3FFE];
	_ =	sdelay $0x1  }
0x8a: {  	s1 =	srdreg.scid  }
0x8b: {  	s0 =	sand.u32 $0x1, s1  }
0x8c: {  	s17 =	sshll.u32 s0, $0xA;
	s2 =	sadd.s32 s3, s2  }
0x8d: {  	s2 =	sadd.s32 s2, s17  }
0x8e: {  	[smem:$0x3FBB] =	sst s2  }
0x8f: {  	_ = 	snop  }
0x90: {  	s2 =	sld [smem:$0x3FC9]  }
0x91: {  	s18 =	sld [smem:$0x3FD0];
	(tm) =	ssettm $0x1  }
0x92: {  	s4 =	sld [smem:$0x3FFB];
	_ =	sdelay $0x3  }
0x93: {  	_ =	strace s4  }
0x94: {  	s4 =	sld [smem:$0x3FFC];
	_ =	sdelay $0x3  }
0x95: {  	_ =	strace s4  }
0x96: {  	s4 =	sld [smem:$0x3FFD];
	_ =	sdelay $0x3  }
0x97: {  	_ =	strace s4  }
0x98: {  	_ =	strace $0x8FFFFFFF  }
0x99: {  	s19 =	sld [smem:$0x3FDB];
	_ =	sdelay $0x1  }
0x9a: {  	s5 =	simm.s32 $_scs_section_size  }
0x9b: {  	s6 =	simm.s32 $_size__tile_overlayer_lowered;
	s7 =	simm.s32 $_tile_overlayer_lowered  }
0x9c: {  	s22 =	simm.s32 $0x1BFF;
	s21 =	sshll.u32 s7, $0x1;
	s4 =	sadd.s32 s5, s19  }
0x9d: {  	s8 =	simm.s32 $0x0;
	s20 =	sshll.u32 s6, $0x1;
	s6 =	sadd.s32 s21, s4  }
0x9e: {  	[timem:s8], [sflag:s22] =	dma.local [hbm:s6], s20  }
0x9f: {  	_ =	swait.ge [sflag:s22], s20  }
0xa0: {  	s5 =	ssub.s32 $0x0, s20;
	[sflag:s22] =	ssyncset.done $0x0  }
0xa1: {  	[sflag:s22] =	ssyncadd.s32 s5;
	_ =	sdelay $0x1  }
0xa2: {  	s23 =	simm.s32 $0x1B8B  }
0xa3: {  	_ =	swait.ge [sflag:s23], $0x1  }
0xa4: {  	[sflag:s23] =	ssyncset.done $0x0  }
0xa5: {  	s25 =	simm.s32 $0x1B8E;
	s24 =	sld [smem:$0x3FFE];
	[sflag:s23] =	ssyncadd.s32 $0xFFFFFFFF  }
0xa6: {  	s26 =	simm.s32 $execute0_lowered;
	[smem:$0x3FD2] =	sst s25  }
0xa7: {  	s6 =	sshll.u32 s26, $0x1;
	_ =	strace $0x80000046;
	[dreg:$0x1] =	wrdreg $0xFFFFFFFF  }
0xa8: {  	s28 =	simm.s32 $_size_execute0_lowered;
	s4 =	sadd.s32 s4, s6;
	[dreg:$0x0] =	wrdreg $0x0  }
0xa9: {  	s6 =	sshll.u32 s28, $0x1;
	[dreg:$0x2] =	wrdreg s4  }
0xaa: {  	[dreg:$0x3] =	wrdreg s6  }
0xab: {  	[dreg:$0x4] =	wrdreg $0xC0  }
0xac: {  	_ =	task [dreg:s8], $0x5FFFF  }
0xad: {  	[dreg:$0x1] =	wrdreg $0xFFFFFFFF  }
0xae: {  	[dreg:$0x0] =	wrdreg $0x60  }
0xaf: {  	[dreg:$0x2] =	wrdreg s18  }
0xb0: {  	[dreg:$0x3] =	wrdreg s2  }
0xb1: {  	[dreg:$0x4] =	wrdreg s24  }
0xb2: {  	[dreg:$0x5] =	wrdreg $0xA8000  }
0xb3: {  	[dreg:$0x6] =	wrdreg $0x9  }
0xb4: {  	_ =	task.clear_ibuf [dreg:s8], $0x7FFFF;
	_ =	strace $0x90000046  }
0xb5: {  	s29 =	simm.s32 $0x9;
	_ =	strace $0x80000048  }
0xb6: {  	_ =	swait.ge [sflag:s29], $0x1  }
0xb7: {  	[sflag:s29] =	ssyncadd.s32 $0xFFFFFFFF  }
0xb8: {  	_ =	strace $0x90000048  }
0xb9: {  	_ =	sfence  }
0xba: {  	s30 =	sld [smem:$0x0];
	_ =	sdelay $0x2  }
0xbb: {  	s31 =	sshll.u32 s1, $0xD;
	s1 =	sshrl.u32 s1, $0x2  }
0xbc: {  	s3 =	sand.u32 $0x4000, s31;
	s1 =	sadd.s32 s1, s30  }
0xbd: {  	s0 =	sor.u32 s3, s0;
	s1 =	sshll.u32 s1, $0x11  }
0xbe: {  	s0 =	sor.u32 s1, s0  }
0xbf: {  	s0 =	sadd.s32 $0x8F2B, s0  }
0xc0: {  	[sflag:s0] =	ssyncadd.remote.s32 $0x1  }
0xc1: {  	_ =	sfence.sel $0xFFFF  }
0xc2: {  	[dreg:$0x0] =	wrdreg $0xFFFFFFFF;
	(pc) =	sbr.abs _section_cstart, $3  }
0xc3: {  	[dreg:$0x1] =	wrdreg $0xFFFFFFFF  }
0xc4: {  	_ =	task.clear_ibuf [dreg:s8], $0x2FFFF;
	_ =	strace $0x9FFFFFFF  }
0xc5: {  	(tm) =	ssettm $0x7FFFFFFF  }
tec
execute0_lowered:
.L_overlay_start_1:
0x0: {  	(tag) =	ssettag $0x1  }
0x1: {  	s1 =	rddreg [dreg:$0x0]  }
0x2: {  	s12 =	rddreg [dreg:$0x1]  }
0x3: {  	s11 =	rddreg [dreg:$0x2]  }
0x4: {  	s3 =	rddreg [dreg:$0x3];
	s4 =	simm.s32 $0x0;
	s2 =	stileid.u32  }
0x5: {  	s5 =	srdreg.scid;
	s21 =	simm.s32 $0x2800;
	s23 =	simm.s32 $0x1  }
0x6: {  	s24 =	simm.s32 $0x2;
	s25 =	simm.s32 $0x1380;
	s28 =	simm.s32 $0x2780  }
0x7: {  	s29 =	simm.s32 $0x0;
	[smem:$0x7FF] =	sst s4;
	s15 =	smul.u32 $0x2780, s2  }
0x8: {  	s22 =	sand.u32 $0x1, s5;
	s26 =	sshll.u32 s2, $0x1;
	s13 =	sadd.s32 $0x2200, s11  }
0x9: {  	s14 =	sadd.s32 $0xC200, s11;
	s7 =	smul.u32 $0x4F000, s2;
	s10 =	sadd.s32 $0x128400, s3  }
0xa: {  	s16 =	sadd.s32 $0x3D400, s11;
	p0 =	seq.s32 s2, $0xF;
	_ =	strace $0x80000047  }
0xb: {  	s5 =	sor.u32 s22, s26;
	s6 =	ssub.s32 $0x2, s22;
	s19 =	smul.u32 $0x138800, s22  }
0xc: {  	s20 =	smul.u32 $0x27100, s22;
	p2 =	sne.s32 @p0 s22, $0x0;
	p4 =	sne.s32 @!p0 s22, $0x0  }
0xd: {  	s22 =	simm.s32 $0x6800;
	s26 =	simm.s32 $0x2700;
	s8 =	sadd.s32 s15, s11  }
0xe: {  	s5 =	smul.u32 $0x2800, s5;
	s9 =	sshrl.u32 s6, $0x1;
	s7 =	sshrl.u32 s7, $0x2  }
0xf: {  	s11 =	sadd.s32 $0x3B280, s11;
	p1 =	por !p2, !p0;
	p2 =	por p2, !p0  }
0x10: {  	p3 =	por !p4, p0;
	p4 =	por p4, p0;
	s18 =	ssub.s32 s6, s9  }
0x11: {  	s7 =	sadd.s32 s7, s3;
	s8 =	sadd.s32 $0x16200, s8;
	s9 =	sadd.s32 s12, s15  }
0x12: {  	s12 =	sadd.s32 $0x25080, s12;
	s19 =	sshrl.u32 s19, $0x3;
	s15 =	sadd.s32 s15, s20  }
0x13: {  	s20 =	simm.s32 $0x80;
	s17 =	sshrl.u32 s5, $0x3;
	s31 =	sadd.s32 s16, s19  }
0x14: {  	s15 =	sadd.s32 s16, s15;
	s19 =	simm.s32 $0x1400;
	s0 =	sadd.s32 s13, s17  }
0x15: {  	s30 =	sadd.s32 s14, s17;
	s17 =	sadd.s32 $0x280, s17;
	[dreg:$0x5] =	wrdreg s0  }
0x16: {  	s16 =	sadd.s32 $0x25080, s31;
	[dreg:$0x6] =	wrdreg s30;
	s13 =	sadd.s32 s13, s17  }
0x17: {  	s14 =	sadd.s32 s14, s17;
	s17 =	smax.u32 s18, $0x1;
	s18 =	simm.s32 $0x3  }
.LBB2_1:
0x18: {  	s0 =	rddreg [dreg:$0x5]  }
0x19: {  	[tilespmem:s4], [sflag:$0x3] =	stream.linear.gather [hbm4b:s0+s4], $0x1400, $0x38;
	[tilespmem:$0x1FC80] =	vst v63  }
0x1a: {  	_ =	swait.ge [sflag:s18], $0x1400  }
0x1b: {  	[sflag:s18] =	ssyncset.done $0x0  }
0x1c: {  	s6 =	rddreg [dreg:$0x6];
	[sflag:s18] =	ssyncadd.s32 $0xFFFFEC00  }
0x1d: {  	[tilespmem:s19], [sflag:$0x3] =	stream.linear.gather [hbm4b:s6+s4], $0x1400, $0x38;
	[tilespmem:$0x1FC80] =	vst v63  }
0x1e: {  	_ =	swait.ge [sflag:s18], $0x1400  }
0x1f: {  	[sflag:s18] =	ssyncset.done $0x0  }
0x20: {  	s30 =	sshrl.u32 @!p1 s10, $0x3;
	s31 =	simm.s32 @!p1 $0x1FC3;
	[sflag:s18] =	ssyncadd.s32 $0xFFFFEC00  }
0x21: {  	[tilespmem:s21], [sflag:$0x1] =	stream.indirect.gather [hbm4b:s1+s20], $0x80, s4, s20, $0xb8;
	[tilespmem:$0x1FC80] =	vst v63  }
0x22: {  	[spmem:s30], [sflag:s31] =	dma.local @!p1 [hbm:s11], $0x2080  }
0x23: {  	s30 =	simm.s32 @!p1 $0x3  }
0x24: {  	_ =	swait.ge @!p1 [sflag:s30], $0x2080  }
0x25: {  	[sflag:s30] =	ssyncset.done @!p1 $0x0  }
0x26: {  	s31 =	simm.s32 @!p2 $0x1FC3;
	[sflag:s30] =	ssyncadd.s32 @!p1 $0xFFFFDF80;
	s30 =	sshrl.u32 @!p2 s10, $0x3  }
0x27: {  	[spmem:s30], [sflag:s31] =	dma.local @!p2 [hbm:s12], $0x2080  }
0x28: {  	s30 =	simm.s32 @!p2 $0x3  }
0x29: {  	_ =	swait.ge @!p2 [sflag:s30], $0x2080  }
0x2a: {  	s31 =	sshll.u32 @!p3 s2, $0x6;
	[sflag:s30] =	ssyncset.done @!p2 $0x0  }
0x2b: {  	[sflag:s30] =	ssyncadd.s32 @!p2 $0xFFFFDF80;
	s30 =	sor.u32 @!p3 $0x1C03, s31;
	s31 =	sshrl.u32 @!p3 s7, $0x3  }
0x2c: {  	[spmem:s31], [sflag:s30] =	dma.local @!p3 [hbm:s8], $0x2780  }
0x2d: {  	s30 =	simm.s32 @!p3 $0x3  }
0x2e: {  	_ =	swait.ge @!p3 [sflag:s30], $0x2780  }
0x2f: {  	s31 =	sshll.u32 @!p4 s2, $0x6;
	[sflag:s30] =	ssyncset.done @!p3 $0x0  }
0x30: {  	[sflag:s30] =	ssyncadd.s32 @!p3 $0xFFFFD880;
	s30 =	sor.u32 @!p4 $0x1C03, s31;
	s31 =	sshrl.u32 @!p4 s7, $0x3  }
0x31: {  	[spmem:s31], [sflag:s30] =	dma.local @!p4 [hbm:s9], $0x2780  }
0x32: {  	s30 =	simm.s32 @!p4 $0x3  }
0x33: {  	_ =	swait.ge @!p4 [sflag:s30], $0x2780  }
0x34: {  	[sflag:s30] =	ssyncset.done @!p4 $0x0  }
0x35: {  	[sflag:s30] =	ssyncadd.s32 @!p4 $0xFFFFD880  }
0x36: {  	s30 =	simm.s32 $0x80;
	[bflag:$0x0] =	sbarrier.arrive $0xFFFF  }
0x37: {  	[tilespmem:s22], [sflag:$0x2] =	stream.indirect.gather [hbm4b:s1+s20], $0x80, s30, s20, $0xb8;
	[tilespmem:$0x1FC80] =	vst v63  }
0x38: {  	_ =	swait.ge [sflag:s23], $0x4000  }
0x39: {  	[sflag:s23] =	ssyncset.done $0x0  }
0x3a: {  	s30 =	simm.s32 $0x1400;
	[sflag:s23] =	ssyncadd.s32 $0xFFFFC000  }
0x3b: {  	[spmem:s3] =	stream.indirect.scatter.add.f32 [tilespmem:s21], [sflag:$0x3], $0x80, s30, s20, $0xb8;
	[tilespmem:$0x1FC80] =	vst v63  }
0x3c: {  	_ =	swait.ge [sflag:s18], $0x4000  }
0x3d: {  	[sflag:s18] =	ssyncset.done $0x0  }
0x3e: {  	s30 =	simm.s32 $0x100;
	[sflag:s18] =	ssyncadd.s32 $0xFFFFC000  }
0x3f: {  	[tilespmem:s21], [sflag:$0x1] =	stream.indirect.gather [hbm4b:s1+s20], $0x80, s30, s20, $0xb8;
	[tilespmem:$0x1FC80] =	vst v63  }
0x40: {  	_ =	swait.ge [sflag:s24], $0x4000  }
0x41: {  	[sflag:s24] =	ssyncset.done $0x0  }
0x42: {  	s30 =	simm.s32 $0x1480;
	[sflag:s24] =	ssyncadd.s32 $0xFFFFC000  }
0x43: {  	[spmem:s3] =	stream.indirect.scatter.add.f32 [tilespmem:s22], [sflag:$0x3], $0x80, s30, s20, $0xb8;
	[tilespmem:$0x1FC80] =	vst v63  }
0x44: {  	_ =	swait.ge [sflag:s18], $0x4000  }
0x45: {  	s31 =	simm.s32 $0x800;
	s30 =	simm.s32 $0x100;
	[sflag:s18] =	ssyncset.done $0x0  }
.LBB2_2:
0x46: {  	s0 =	sadd.s32 $0x80, s30  }
0x47: {  	[sflag:s18] =	ssyncadd.s32 $0xFFFFC000;
	s5 =	smov.u32 s31;
	s6 =	sadd.s32 $0x400, s31  }
0x48: {  	[tilespmem:s22], [sflag:$0x2] =	stream.indirect.gather [hbm4b:s1+s20], $0x80, s0, s20, $0xb8;
	[tilespmem:$0x1FC80] =	vst v63  }
0x49: {  	p5 =	sne.s32 s31, $0x4800;
	_ =	swait.ge [sflag:s23], $0x4000  }
0x4a: {  	[sflag:s23] =	ssyncset.done $0x0  }
0x4b: {  	s0 =	sadd.s32 $0x1400, s30;
	[sflag:s23] =	ssyncadd.s32 $0xFFFFC000  }
0x4c: {  	[spmem:s3] =	stream.indirect.scatter.add.f32 [tilespmem:s21], [sflag:$0x3], $0x80, s0, s20, $0xb8;
	[tilespmem:$0x1FC80] =	vst v63  }
0x4d: {  	_ =	swait.ge [sflag:s18], $0x4000  }
0x4e: {  	[sflag:s18] =	ssyncset.done $0x0  }
0x4f: {  	s0 =	sadd.s32 $0x100, s30;
	[sflag:s18] =	ssyncadd.s32 $0xFFFFC000  }
0x50: {  	[tilespmem:s21], [sflag:$0x1] =	stream.indirect.gather [hbm4b:s1+s20], $0x80, s0, s20, $0xb8;
	[tilespmem:$0x1FC80] =	vst v63  }
0x51: {  	_ =	swait.ge [sflag:s24], $0x4000  }
.Ltmp0:
0x52: {  	[sflag:s24] =	ssyncset.done $0x0;
	(pc) =	sbr.rel @p5 .LBB2_2-.Ltmp0, $4  }
0x53: {  	s0 =	sadd.s32 $0x1480, s30;
	[sflag:s24] =	ssyncadd.s32 $0xFFFFC000  }
0x54: {  	[spmem:s3] =	stream.indirect.scatter.add.f32 [tilespmem:s22], [sflag:$0x3], $0x80, s0, s20, $0xb8;
	[tilespmem:$0x1FC80] =	vst v63  }
0x55: {  	_ =	swait.ge [sflag:s18], $0x4000  }
0x56: {  	s31 =	smov.u32 s6;
	s30 =	sshra.s32 s5, $0x2;
	[sflag:s18] =	ssyncset.done $0x0  }
0x57: {  	s0 =	sadd.s32 $0x80, s30;
	[sflag:s18] =	ssyncadd.s32 $0xFFFFC000  }
0x58: {  	[tilespmem:s22], [sflag:$0x2] =	stream.indirect.gather [hbm4b:s1+s20], $0x80, s0, s20, $0xb8;
	[tilespmem:$0x1FC80] =	vst v63  }
0x59: {  	_ =	swait.ge [sflag:s23], $0x4000  }
0x5a: {  	[sflag:s23] =	ssyncset.done $0x0  }
0x5b: {  	s5 =	sadd.s32 $0x1400, s30;
	[sflag:s23] =	ssyncadd.s32 $0xFFFFC000  }
0x5c: {  	[spmem:s3] =	stream.indirect.scatter.add.f32 [tilespmem:s21], [sflag:$0x3], $0x80, s5, s20, $0xb8;
	[tilespmem:$0x1FC80] =	vst v63  }
0x5d: {  	_ =	swait.ge [sflag:s18], $0x4000  }
0x5e: {  	[sflag:s18] =	ssyncset.done $0x0  }
0x5f: {  	s6 =	sadd.s32 $0x100, s30;
	[sflag:s18] =	ssyncadd.s32 $0xFFFFC000  }
0x60: {  	[tilespmem:s21], [sflag:$0x1] =	stream.indirect.gather [hbm4b:s1+s20], $0x80, s6, s20, $0xb8;
	[tilespmem:$0x1FC80] =	vst v63  }
0x61: {  	_ =	swait.ge [sflag:s24], $0x4000  }
0x62: {  	[sflag:s24] =	ssyncset.done $0x0  }
0x63: {  	s5 =	sadd.s32 $0x1480, s30;
	[sflag:s24] =	ssyncadd.s32 $0xFFFFC000  }
0x64: {  	[spmem:s3] =	stream.indirect.scatter.add.f32 [tilespmem:s22], [sflag:$0x3], $0x80, s5, s20, $0xb8;
	[tilespmem:$0x1FC80] =	vst v63  }
0x65: {  	_ =	swait.ge [sflag:s18], $0x4000  }
0x66: {  	[sflag:s18] =	ssyncset.done $0x0  }
0x67: {  	[sflag:s18] =	ssyncadd.s32 $0xFFFFC000  }
0x68: {  	[tilespmem:s22], [sflag:$0x2] =	stream.indirect.gather [hbm4b:s1+s20], $0x80, s25, s20, $0xb8;
	[tilespmem:$0x1FC80] =	vst v63  }
0x69: {  	_ =	swait.ge [sflag:s23], $0x4000  }
0x6a: {  	[sflag:s23] =	ssyncset.done $0x0  }
0x6b: {  	[sflag:s23] =	ssyncadd.s32 $0xFFFFC000  }
0x6c: {  	[spmem:s3] =	stream.indirect.scatter.add.f32 [tilespmem:s21], [sflag:$0x3], $0x80, s26, s20, $0xb8;
	[tilespmem:$0x1FC80] =	vst v63  }
0x6d: {  	_ =	swait.ge [sflag:s18], $0x4000  }
0x6e: {  	[sflag:s18] =	ssyncset.done $0x0  }
0x6f: {  	[sflag:s18] =	ssyncadd.s32 $0xFFFFC000  }
0x70: {  	_ =	swait.ge [sflag:s24], $0x4000  }
0x71: {  	[sflag:s24] =	ssyncset.done $0x0  }
0x72: {  	[sflag:s24] =	ssyncadd.s32 $0xFFFFC000  }
0x73: {  	[spmem:s3] =	stream.indirect.scatter.add.f32 [tilespmem:s22], [sflag:$0x3], $0x80, s28, s20, $0xb8;
	[tilespmem:$0x1FC80] =	vst v63  }
0x74: {  	_ =	swait.ge [sflag:s18], $0x4000  }
0x75: {  	[sflag:s18] =	ssyncset.done $0x0  }
0x76: {  	s6 =	simm.s32 $0x0;
	[sflag:s18] =	ssyncadd.s32 $0xFFFFC000  }
0x77: {  	[tilespmem:s6], [sflag:$0x3] =	stream.linear.gather [hbm4b:s13+s6], $0x1400, $0x38;
	[tilespmem:$0x1FC80] =	vst v63  }
0x78: {  	_ =	swait.ge [sflag:s18], $0x1400  }
0x79: {  	[sflag:s18] =	ssyncset.done $0x0  }
0x7a: {  	[sflag:s18] =	ssyncadd.s32 $0xFFFFEC00  }
0x7b: {  	[tilespmem:s19], [sflag:$0x3] =	stream.linear.gather [hbm4b:s14+s6], $0x1400, $0x38;
	[tilespmem:$0x1FC80] =	vst v63  }
0x7c: {  	_ =	swait.ge [sflag:s18], $0x1400  }
0x7d: {  	[sflag:s18] =	ssyncset.done $0x0  }
0x7e: {  	[sflag:s18] =	ssyncadd.s32 $0xFFFFEC00  }
0x7f: {  	[tilespmem:s21], [sflag:$0x1] =	stream.indirect.gather [hbm4b:s1+s20], $0x80, s6, s20, $0xb8;
	[tilespmem:$0x1FC80] =	vst v63  }
0x80: {  	s5 =	simm.s32 $0x80  }
0x81: {  	[tilespmem:s22], [sflag:$0x2] =	stream.indirect.gather [hbm4b:s1+s20], $0x80, s5, s20, $0xb8;
	[tilespmem:$0x1FC80] =	vst v63  }
0x82: {  	_ =	swait.ge [sflag:s23], $0x4000  }
0x83: {  	[sflag:s23] =	ssyncset.done $0x0  }
0x84: {  	s6 =	simm.s32 $0x1400;
	[sflag:s23] =	ssyncadd.s32 $0xFFFFC000  }
0x85: {  	[spmem:s3] =	stream.indirect.scatter.add.f32 [tilespmem:s21], [sflag:$0x3], $0x80, s6, s20, $0xb8;
	[tilespmem:$0x1FC80] =	vst v63  }
0x86: {  	_ =	swait.ge [sflag:s18], $0x4000  }
0x87: {  	[sflag:s18] =	ssyncset.done $0x0  }
0x88: {  	s5 =	simm.s32 $0x100;
	[sflag:s18] =	ssyncadd.s32 $0xFFFFC000  }
0x89: {  	[tilespmem:s21], [sflag:$0x1] =	stream.indirect.gather [hbm4b:s1+s20], $0x80, s5, s20, $0xb8;
	[tilespmem:$0x1FC80] =	vst v63  }
0x8a: {  	_ =	swait.ge [sflag:s24], $0x4000  }
0x8b: {  	[sflag:s24] =	ssyncset.done $0x0  }
0x8c: {  	s6 =	simm.s32 $0x1480;
	[sflag:s24] =	ssyncadd.s32 $0xFFFFC000  }
0x8d: {  	[spmem:s3] =	stream.indirect.scatter.add.f32 [tilespmem:s22], [sflag:$0x3], $0x80, s6, s20, $0xb8;
	[tilespmem:$0x1FC80] =	vst v63  }
0x8e: {  	_ =	swait.ge [sflag:s18], $0x4000  }
0x8f: {  	s31 =	simm.s32 $0x800;
	s30 =	simm.s32 $0x100;
	[sflag:s18] =	ssyncset.done $0x0  }
.LBB2_4:
0x90: {  	s0 =	sadd.s32 $0x80, s30  }
0x91: {  	[sflag:s18] =	ssyncadd.s32 $0xFFFFC000;
	s5 =	smov.u32 s31;
	s6 =	sadd.s32 $0x400, s31  }
0x92: {  	[tilespmem:s22], [sflag:$0x2] =	stream.indirect.gather [hbm4b:s1+s20], $0x80, s0, s20, $0xb8;
	[tilespmem:$0x1FC80] =	vst v63  }
0x93: {  	p5 =	sne.s32 s31, $0x4800;
	_ =	swait.ge [sflag:s23], $0x4000  }
0x94: {  	[sflag:s23] =	ssyncset.done $0x0  }
0x95: {  	s0 =	sadd.s32 $0x1400, s30;
	[sflag:s23] =	ssyncadd.s32 $0xFFFFC000  }
0x96: {  	[spmem:s3] =	stream.indirect.scatter.add.f32 [tilespmem:s21], [sflag:$0x3], $0x80, s0, s20, $0xb8;
	[tilespmem:$0x1FC80] =	vst v63  }
0x97: {  	_ =	swait.ge [sflag:s18], $0x4000  }
0x98: {  	[sflag:s18] =	ssyncset.done $0x0  }
0x99: {  	s0 =	sadd.s32 $0x100, s30;
	[sflag:s18] =	ssyncadd.s32 $0xFFFFC000  }
0x9a: {  	[tilespmem:s21], [sflag:$0x1] =	stream.indirect.gather [hbm4b:s1+s20], $0x80, s0, s20, $0xb8;
	[tilespmem:$0x1FC80] =	vst v63  }
0x9b: {  	_ =	swait.ge [sflag:s24], $0x4000  }
.Ltmp1:
0x9c: {  	[sflag:s24] =	ssyncset.done $0x0;
	(pc) =	sbr.rel @p5 .LBB2_4-.Ltmp1, $4  }
0x9d: {  	s0 =	sadd.s32 $0x1480, s30;
	[sflag:s24] =	ssyncadd.s32 $0xFFFFC000  }
0x9e: {  	[spmem:s3] =	stream.indirect.scatter.add.f32 [tilespmem:s22], [sflag:$0x3], $0x80, s0, s20, $0xb8;
	[tilespmem:$0x1FC80] =	vst v63  }
0x9f: {  	_ =	swait.ge [sflag:s18], $0x4000  }
0xa0: {  	s31 =	smov.u32 s6;
	s30 =	sshra.s32 s5, $0x2;
	[sflag:s18] =	ssyncset.done $0x0  }
0xa1: {  	s0 =	sadd.s32 $0x80, s30;
	[sflag:s18] =	ssyncadd.s32 $0xFFFFC000  }
0xa2: {  	[tilespmem:s22], [sflag:$0x2] =	stream.indirect.gather [hbm4b:s1+s20], $0x80, s0, s20, $0xb8;
	[tilespmem:$0x1FC80] =	vst v63  }
0xa3: {  	_ =	swait.ge [sflag:s23], $0x4000  }
0xa4: {  	[sflag:s23] =	ssyncset.done $0x0  }
0xa5: {  	s5 =	sadd.s32 $0x1400, s30;
	[sflag:s23] =	ssyncadd.s32 $0xFFFFC000  }
0xa6: {  	[spmem:s3] =	stream.indirect.scatter.add.f32 [tilespmem:s21], [sflag:$0x3], $0x80, s5, s20, $0xb8;
	[tilespmem:$0x1FC80] =	vst v63  }
0xa7: {  	_ =	swait.ge [sflag:s18], $0x4000  }
0xa8: {  	[sflag:s18] =	ssyncset.done $0x0  }
0xa9: {  	s6 =	sadd.s32 $0x100, s30;
	[sflag:s18] =	ssyncadd.s32 $0xFFFFC000  }
0xaa: {  	[tilespmem:s21], [sflag:$0x1] =	stream.indirect.gather [hbm4b:s1+s20], $0x80, s6, s20, $0xb8;
	[tilespmem:$0x1FC80] =	vst v63  }
0xab: {  	_ =	swait.ge [sflag:s24], $0x4000  }
0xac: {  	[sflag:s24] =	ssyncset.done $0x0  }
0xad: {  	s31 =	sadd.s32 $0x1480, s30;
	[sflag:s24] =	ssyncadd.s32 $0xFFFFC000  }
0xae: {  	[spmem:s3] =	stream.indirect.scatter.add.f32 [tilespmem:s22], [sflag:$0x3], $0x80, s31, s20, $0xb8;
	[tilespmem:$0x1FC80] =	vst v63  }
0xaf: {  	_ =	swait.ge [sflag:s18], $0x4000  }
0xb0: {  	[sflag:s18] =	ssyncset.done $0x0  }
0xb1: {  	[sflag:s18] =	ssyncadd.s32 $0xFFFFC000  }
0xb2: {  	[tilespmem:s22], [sflag:$0x2] =	stream.indirect.gather [hbm4b:s1+s20], $0x80, s25, s20, $0xb8;
	[tilespmem:$0x1FC80] =	vst v63  }
0xb3: {  	_ =	swait.ge [sflag:s23], $0x4000  }
0xb4: {  	[sflag:s23] =	ssyncset.done $0x0  }
0xb5: {  	[sflag:s23] =	ssyncadd.s32 $0xFFFFC000  }
0xb6: {  	[spmem:s3] =	stream.indirect.scatter.add.f32 [tilespmem:s21], [sflag:$0x3], $0x80, s26, s20, $0xb8;
	[tilespmem:$0x1FC80] =	vst v63  }
0xb7: {  	_ =	swait.ge [sflag:s18], $0x4000  }
0xb8: {  	[sflag:s18] =	ssyncset.done $0x0  }
0xb9: {  	[sflag:s18] =	ssyncadd.s32 $0xFFFFC000  }
0xba: {  	_ =	swait.ge [sflag:s24], $0x4000  }
0xbb: {  	[sflag:s24] =	ssyncset.done $0x0  }
0xbc: {  	[sflag:s24] =	ssyncadd.s32 $0xFFFFC000  }
0xbd: {  	[spmem:s3] =	stream.indirect.scatter.add.f32 [tilespmem:s22], [sflag:$0x3], $0x80, s28, s20, $0xb8;
	[tilespmem:$0x1FC80] =	vst v63  }
0xbe: {  	_ =	swait.ge [sflag:s18], $0x4000  }
0xbf: {  	[sflag:s18] =	ssyncset.done $0x0  }
0xc0: {  	[sflag:s18] =	ssyncadd.s32 $0xFFFFC000  }
0xc1: {  	s0 =	sshrl.u32 @p0 s10, $0x3;
	s5 =	simm.s32 @p0 $0x1FC3;
	[bflag:$0x0] =	sbarrier.arrive $0xFFFF  }
0xc2: {  	[hbm:s16], [sflag:s5] =	dma.local @p0 [spmem:s0], $0x2080  }
0xc3: {  	s0 =	simm.s32 @p0 $0x3  }
0xc4: {  	s29 =	sadd.s32 $0x1, s29;
	_ =	swait.ge @p0 [sflag:s0], $0x2080  }
0xc5: {  	p5 =	sne.s32 s29, s17;
	s5 =	sshll.u32 @!p0 s2, $0x6;
	[sflag:s0] =	ssyncset.done @p0 $0x0  }
0xc6: {  	[sflag:s0] =	ssyncadd.s32 @p0 $0xFFFFDF80;
	s0 =	sor.u32 @!p0 $0x1C03, s5;
	s5 =	sshrl.u32 @!p0 s7, $0x3  }
0xc7: {  	[hbm:s15], [sflag:s0] =	dma.local @!p0 [spmem:s5], $0x2780  }
.Ltmp2:
0xc8: {  	_ = 	snop;
	(pc) =	sbr.rel @p5 .LBB2_1-.Ltmp2, $4  }
0xc9: {  	s0 =	simm.s32 @!p0 $0x3  }
0xca: {  	_ =	swait.ge @!p0 [sflag:s0], $0x2780  }
0xcb: {  	[sflag:s0] =	ssyncset.done @!p0 $0x0  }
0xcc: {  	[sflag:s0] =	ssyncadd.s32 @!p0 $0xFFFFD880  }
0xcd: {  	_ =	sfence.sel $0x180000  }
0xce: {  	[bflag:$0x0] =	sbarrier.arrive $0xFFFF  }
0xcf: {  	_ =	strace $0x90000047  }
0xd0: {  	[bflag:$0x2] =	sbarrier.arrive $0xFFFF  }
0xd1: {  	p0 =	sne.s32 s2, $0x0;
	s0 =	rddreg [dreg:$0x4]  }
0xd2: {  	s0 =	sadd.s32 @!p0 $0x100000, s0  }
0xd3: {  	[sflag:s0] =	ssyncadd.tile.s32 @!p0 $0x1;
	_ =	shalt  }
.Lfunc_end2:
_tile_overlayer_lowered:
.L_overlay_start_2:
0xd4: {  	(tag) =	ssettag $0x2  }
0xd5: {  	s0 =	rddreg [dreg:$0x0];
	s2 =	stileid.u32  }
0xd6: {  	s1 =	rddreg [dreg:$0x1];
	p0 =	sne.s32 s2, $0x0  }
0xd7: {  	s3 =	rddreg [dreg:$0x2];
	[bflag:$0x3] =	sbarrier.arrive $0xFFFF;
	s2 =	simm.s32 @!p0 $0x1C03  }
0xd8: {  	[timem:s3], [sflag:s2] =	dma.local @!p0 [hbm:s0], s1  }
0xd9: {  	s0 =	simm.s32 @!p0 $0x3  }
0xda: {  	_ =	swait.ge @!p0 [sflag:s0], s1  }
0xdb: {  	s1 =	ssub.s32 @!p0 $0x0, s1;
	[sflag:s0] =	ssyncset.done @!p0 $0x0  }
0xdc: {  	[sflag:s0] =	ssyncadd.s32 @!p0 s1  }
0xdd: {  	[bflag:$0x3] =	sbarrier.arrive $0xFFFF  }
0xde: {  	_ =	shalt  }

</sc_bundles>
